<compile_context>
chip_gen: v7x
topology: tpu7x:2x2x1
jax: 0.10.2.dev20260603
libtpu: 0.0.44.dev20260713+nightly
codegen_flags: <defaults>
</compile_context>

<pallas_src>
import functools

import jax
import jax.numpy as jnp
from jax import lax
from jax.experimental import pallas as pl
from jax.experimental.pallas import tpu as pltpu
from jax.experimental.pallas import tpu_sc as plsc

EPS = 1e-6
NC, NS, L = 2, 16, 16
NW = NC * NS

M = 100000
MPAD = 100352
SLICE = MPAD // NS
D = 128
KE = 1600000
P = 6400000
RK = KE // 128
RP = P // 128

K_FULL = RK // NW
K_REM = RK - K_FULL * NW
K_WROWS = 15
K_NWIN = K_FULL // K_WROWS

P_FULL = RP // NW
P_WREM = RP - P_FULL * NW
P_WROWS = 22
P_NWIN = P_FULL // P_WROWS

_mesh = plsc.VectorSubcoreMesh(core_axis_name="c", subcore_axis_name="s")


def _worker_id():
    return lax.axis_index("s") * NC + lax.axis_index("c")


def _zero_vmem(buf, n):
    def body(i, _):
        buf[pl.ds(i * L, L)] = jnp.zeros((L,), jnp.float32)
        return 0
    lax.fori_loop(0, n // L, body, 0)


@functools.partial(
    pl.kernel,
    out_type=jax.ShapeDtypeStruct((2 * MPAD,), jnp.float32),
    mesh=_mesh,
    scratch_types=[
        pltpu.VMEM((K_WROWS * 128,), jnp.int32),
        pltpu.VMEM((K_WROWS * 128,), jnp.float32),
        pltpu.VMEM((SLICE,), jnp.float32),
        pltpu.VMEM_SHARED((MPAD,), jnp.float32),
    ],
)
def _segsum(z_hbm, src_hbm, out_hbm, idx_v, val_v, stage_v, ss_sh):
    c = lax.axis_index("c")
    s = lax.axis_index("s")
    wid = _worker_id()
    _zero_vmem(stage_v, SLICE)
    pltpu.sync_copy(stage_v, ss_sh.at[pl.ds(s * SLICE, SLICE)])
    plsc.subcore_barrier()

    base = wid * K_FULL + jnp.minimum(wid, K_REM)

    def do_rows(r0, nrows):
        n = nrows * 128
        pltpu.sync_copy(src_hbm.at[pl.ds(r0 * 128, n)], idx_v.at[pl.ds(0, n)])
        pltpu.sync_copy(z_hbm.at[pl.ds(r0 * 128, n)], val_v.at[pl.ds(0, n)])

        def eb(i, _):
            val_v[pl.ds(i * L, L)] = jnp.exp(val_v[pl.ds(i * L, L)])
            return 0
        lax.fori_loop(0, n // L, eb, 0)

        def rb(j, _):
            pltpu.sync_copy(val_v.at[pl.ds(j * 128, 128)],
                            ss_sh.at[idx_v.at[pl.ds(j * 128, 128)]], add=True)
            return 0
        lax.fori_loop(0, nrows, rb, 0)

    def win(g, _):
        do_rows(base + g * K_WROWS, K_WROWS)
        return 0
    lax.fori_loop(0, K_NWIN, win, 0)

    @pl.when(wid < K_REM)
    def _extra():
        do_rows(base + K_FULL, 1)

    plsc.subcore_barrier()
    pltpu.sync_copy(ss_sh.at[pl.ds(s * SLICE, SLICE)], stage_v)
    pltpu.sync_copy(stage_v, out_hbm.at[pl.ds(c * MPAD + s * SLICE, SLICE)])


@functools.partial(
    pl.kernel,
    out_type=jax.ShapeDtypeStruct((KE,), jnp.float32),
    mesh=_mesh,
    scratch_types=[
        pltpu.VMEM((K_WROWS * 128,), jnp.int32),
        pltpu.VMEM((K_WROWS * 128,), jnp.float32),
        pltpu.VMEM((K_WROWS * 128,), jnp.float32),
        pltpu.VMEM((SLICE,), jnp.float32),
        pltpu.VMEM((SLICE,), jnp.float32),
        pltpu.VMEM_SHARED((MPAD,), jnp.float32),
    ],
)
def _qkernel(z_hbm, src_hbm, ss_hbm, q_hbm, idx_v, val_v, ssb_v, a_v, b_v, ss_sh):
    c = lax.axis_index("c")
    s = lax.axis_index("s")
    wid = _worker_id()
    pltpu.sync_copy(ss_hbm.at[pl.ds(s * SLICE, SLICE)], a_v)
    pltpu.sync_copy(ss_hbm.at[pl.ds(MPAD + s * SLICE, SLICE)], b_v)

    def cb(i, _):
        a_v[pl.ds(i * L, L)] = a_v[pl.ds(i * L, L)] + b_v[pl.ds(i * L, L)] + EPS
        return 0
    lax.fori_loop(0, SLICE // L, cb, 0)
    pltpu.sync_copy(a_v, ss_sh.at[pl.ds(s * SLICE, SLICE)])
    plsc.subcore_barrier()

    base = wid * K_FULL + jnp.minimum(wid, K_REM)

    def do_rows(r0, nrows):
        n = nrows * 128
        pltpu.sync_copy(src_hbm.at[pl.ds(r0 * 128, n)], idx_v.at[pl.ds(0, n)])
        pltpu.sync_copy(z_hbm.at[pl.ds(r0 * 128, n)], val_v.at[pl.ds(0, n)])

        def gb(j, _):
            pltpu.sync_copy(ss_sh.at[idx_v.at[pl.ds(j * 128, 128)]],
                            ssb_v.at[pl.ds(j * 128, 128)])
            return 0
        lax.fori_loop(0, nrows, gb, 0)

        def qb(i, _):
            q = jnp.exp(val_v[pl.ds(i * L, L)]) / ssb_v[pl.ds(i * L, L)]
            val_v[pl.ds(i * L, L)] = jnp.clip(q, EPS, 1.0 - EPS)
            return 0
        lax.fori_loop(0, n // L, qb, 0)
        pltpu.sync_copy(val_v.at[pl.ds(0, n)], q_hbm.at[pl.ds(r0 * 128, n)])

    def win(g, _):
        do_rows(base + g * K_WROWS, K_WROWS)
        return 0
    lax.fori_loop(0, K_NWIN, win, 0)

    @pl.when(wid < K_REM)
    def _extra():
        do_rows(base + K_FULL, 1)


@functools.partial(
    pl.kernel,
    out_type=jax.ShapeDtypeStruct((2 * MPAD,), jnp.float32),
    mesh=_mesh,
    scratch_types=[
        pltpu.VMEM((P_WROWS * 128,), jnp.int32),
        pltpu.VMEM((P_WROWS * 128,), jnp.int32),
        pltpu.VMEM((P_WROWS * 128,), jnp.float32),
        pltpu.VMEM((P_WROWS * 128,), jnp.float32),
        pltpu.VMEM((10000,), jnp.float32),
        pltpu.VMEM_SHARED((KE,), jnp.float32),
        pltpu.VMEM_SHARED((MPAD,), jnp.float32),
    ],
)
def _aggregate(aw_hbm, cand_hbm, child_hbm, q_hbm, out_hbm,
               cnd_v, chd_v, aw_v, q_v, stage_v, q_sh, agg_sh):
    c = lax.axis_index("c")
    s = lax.axis_index("s")
    wid = _worker_id()
    _zero_vmem(stage_v, SLICE)
    pltpu.sync_copy(stage_v.at[pl.ds(0, SLICE)],
                    agg_sh.at[pl.ds(s * SLICE, SLICE)])
    def st(k, _):
        off = s * (KE // NS) + k * 10000
        pltpu.sync_copy(q_hbm.at[pl.ds(off, 10000)], stage_v)
        pltpu.sync_copy(stage_v, q_sh.at[pl.ds(off, 10000)])
        return 0
    lax.fori_loop(0, KE // NS // 10000, st, 0)
    plsc.subcore_barrier()

    base = wid * P_FULL + jnp.minimum(wid, P_WREM)

    def do_rows(r0, nrows):
        n = nrows * 128
        pltpu.sync_copy(cand_hbm.at[pl.ds(r0 * 128, n)], cnd_v.at[pl.ds(0, n)])
        pltpu.sync_copy(child_hbm.at[pl.ds(r0 * 128, n)], chd_v.at[pl.ds(0, n)])
        pltpu.sync_copy(aw_hbm.at[pl.ds(r0 * 128, n)], aw_v.at[pl.ds(0, n)])

        def gb(j, _):
            pltpu.sync_copy(q_sh.at[chd_v.at[pl.ds(j * 128, 128)]],
                            q_v.at[pl.ds(j * 128, 128)])
            return 0
        lax.fori_loop(0, nrows, gb, 0)

        def mb(i, _):
            aw_v[pl.ds(i * L, L)] = aw_v[pl.ds(i * L, L)] * q_v[pl.ds(i * L, L)]
            return 0
        lax.fori_loop(0, n // L, mb, 0)

        def sb(j, _):
            pltpu.sync_copy(aw_v.at[pl.ds(j * 128, 128)],
                            agg_sh.at[cnd_v.at[pl.ds(j * 128, 128)]], add=True)
            return 0
        lax.fori_loop(0, nrows, sb, 0)

    def win(g, _):
        do_rows(base + g * P_WROWS, P_WROWS)
        return 0
    lax.fori_loop(0, P_NWIN, win, 0)

    @pl.when(wid < P_WREM)
    def _extra():
        do_rows(base + P_FULL, 1)

    plsc.subcore_barrier()
    pltpu.sync_copy(agg_sh.at[pl.ds(s * SLICE, SLICE)], stage_v.at[pl.ds(0, SLICE)])
    pltpu.sync_copy(stage_v.at[pl.ds(0, SLICE)],
                    out_hbm.at[pl.ds(c * MPAD + s * SLICE, SLICE)])


BM = 1024
GRID = MPAD // BM


def _mlp_body(x_ref, w1_ref, b1_ref, w2_ref, b2_ref, ws_ref, bs_ref, o_ref):
    x = x_ref[...]
    h = lax.dot_general(x, w1_ref[...], (((1,), (1,)), ((), ())),
                        preferred_element_type=jnp.float32) + b1_ref[...]
    h = jnp.maximum(h, 0.0)
    h = lax.dot_general(h, w2_ref[...], (((1,), (1,)), ((), ())),
                        preferred_element_type=jnp.float32) + b2_ref[...]
    o_ref[...] = jnp.sum(h * ws_ref[...], axis=1) + bs_ref[...]


def _mlp(x, W1, b1, W2, b2, Ws, bs):
    return pl.pallas_call(
        _mlp_body,
        grid=(GRID,),
        in_specs=[
            pl.BlockSpec((BM, D), lambda i: (i, 0)),
            pl.BlockSpec((D, D), lambda i: (0, 0)),
            pl.BlockSpec((D,), lambda i: (0,)),
            pl.BlockSpec((D, D), lambda i: (0, 0)),
            pl.BlockSpec((D,), lambda i: (0,)),
            pl.BlockSpec((1, D), lambda i: (0, 0)),
            pl.BlockSpec((1,), lambda i: (0,)),
        ],
        out_specs=pl.BlockSpec((BM,), lambda i: (i,)),
        out_shape=jax.ShapeDtypeStruct((MPAD,), jnp.float32),
    )(x, W1, b1, W2, b2, Ws, bs)


def _fin_body(lg_ref, a0_ref, a1_ref, s_ref, p_ref):
    lg = lg_ref[...]
    agg = jnp.clip(a0_ref[...] + a1_ref[...], EPS, 1.0 - EPS)
    ctx = jnp.log(agg) - jnp.log1p(-agg)
    s_ref[...] = jax.nn.sigmoid(lg)
    p_ref[...] = lg + ctx


def _finalize(logits, a0, a1):
    return pl.pallas_call(
        _fin_body,
        grid=(GRID,),
        in_specs=[pl.BlockSpec((BM,), lambda i: (i,))] * 3,
        out_specs=[pl.BlockSpec((BM,), lambda i: (i,))] * 2,
        out_shape=[jax.ShapeDtypeStruct((MPAD,), jnp.float32)] * 2,
    )(logits, a0, a1)


def kernel(x_pruner, attention_weight, pre_edge_prob, pair_cand_idx,
           pair_child_idx, child_src_node, W1, b1, W2, b2, Ws, bs):
    src = child_src_node.astype(jnp.int32)
    cand = pair_cand_idx.astype(jnp.int32)
    child = pair_child_idx.astype(jnp.int32)

    logits = _mlp(x_pruner, W1, b1, W2, b2, Ws, bs)
    ss = _segsum(pre_edge_prob, src)
    q = _qkernel(pre_edge_prob, src, ss)
    aggs = _aggregate(attention_weight, cand, child, q)
    s_full, p_full = _finalize(logits, aggs[:MPAD], aggs[MPAD:])
    return s_full[:M], p_full[:M]

# --- scband reference (transcript-rebuilt; emitter-appended) ---
"""Pipeline reference for scband-pruner-78554951844440 (READ-ONLY COPY).

The authoritative reference and input builder live on the scoring server;
editing this copy changes nothing except your own understanding.
"""

import jax, jax.numpy as jnp
import numpy as np

M = 100000
D = 128
P = 6400000
KE = 1600000

def setup_inputs(seed: int = 0):
    key = jax.random.key(seed)
    ks = jax.random.split(key, 10)
    x_pruner = jax.random.normal(ks[0], (M, D), dtype=jnp.float32)
    attention_weight = jax.random.uniform(ks[1], (P,), dtype=jnp.float32)
    pre_edge_prob = jax.random.uniform(ks[2], (KE,), dtype=jnp.float32)
    pair_cand_idx = jax.random.randint(ks[3], (P,), 0, M)
    pair_child_idx = jax.random.randint(ks[4], (P,), 0, KE)
    child_src_node = jnp.sort(jax.random.randint(ks[5], (KE,), 0, M))
    sc = 1.0 / np.sqrt(D)
    W1 = jax.random.normal(ks[6], (D, D), dtype=jnp.float32) * sc
    b1 = jnp.zeros((D,), jnp.float32)
    W2 = jax.random.normal(ks[7], (D, D), dtype=jnp.float32) * sc
    b2 = jnp.zeros((D,), jnp.float32)
    Ws = jax.random.normal(ks[8], (1, D), dtype=jnp.float32) * sc
    bs = jnp.zeros((1,), jnp.float32)
    return {"x_pruner": x_pruner, "attention_weight": attention_weight, "pre_edge_prob": pre_edge_prob, "pair_cand_idx": pair_cand_idx, "pair_child_idx": pair_child_idx, "child_src_node": child_src_node, "W1": W1, "b1": b1, "W2": W2, "b2": b2, "Ws": Ws, "bs": bs}

def reference(x_pruner, attention_weight, pre_edge_prob, pair_cand_idx, pair_child_idx, child_src_node, W1, b1, W2, b2, Ws, bs):
    eps = 1e-6
    tau_prev = 1.0
    alpha = 1.0
    x = jax.lax.stop_gradient(x_pruner)
    Mn = x.shape[0]
    # adapter MLP (dropout is identity in eval mode)
    h = jnp.maximum(x @ W1.T + b1, 0.0)
    h = h @ W2.T + b2
    logits = (h @ Ws.T + bs)[:, 0]
    s = jax.nn.sigmoid(logits)
    # _normalize_prev_prob (no_grad in torch -> stop_gradient)
    K = x.shape[0]
    z = pre_edge_prob / max(tau_prev, eps)
    seg_max = jax.ops.segment_max(z, child_src_node, num_segments=K)
    x_exp = jnp.exp(z - seg_max[child_src_node])
    seg_sum = jax.ops.segment_sum(x_exp, child_src_node, num_segments=K) + eps
    q = jnp.clip(x_exp / seg_sum[child_src_node], eps, 1.0 - eps)
    q = jax.lax.stop_gradient(q)
    # pair gather + scatter-add into candidates
    w_pair = attention_weight * q[pair_child_idx]
    agg = jnp.zeros((Mn,), dtype=w_pair.dtype).at[pair_cand_idx].add(w_pair)
    agg = jnp.clip(agg, eps, 1.0 - eps)
    ctx = jnp.log(agg) - jnp.log1p(-agg)
    p = logits + alpha * ctx
    return (s, p)

if __name__ == "__main__":
    import jax
    _d = setup_inputs()
    print(jax.jit(kernel)(*tuple(_d.values())))

</pallas_src>

<mosaic_0001>
#map = affine_map<(d0, d1) -> (0)>
module attributes {stable_mosaic.version = 14 : i64} {
  func.func @_qkernel(%arg0: i32, %arg1: i32, %arg2: memref<1600000xf32, #tpu.memory_space<hbm>>, %arg3: memref<1600000xi32, #tpu.memory_space<hbm>>, %arg4: memref<200704xf32, #tpu.memory_space<hbm>>, %arg5: memref<1600000xf32, #tpu.memory_space<hbm>>, %arg6: memref<1920xi32, #tpu.memory_space<vmem>>, %arg7: memref<1920xf32, #tpu.memory_space<vmem>>, %arg8: memref<1920xf32, #tpu.memory_space<vmem>>, %arg9: memref<6272xf32, #tpu.memory_space<vmem>>, %arg10: memref<6272xf32, #tpu.memory_space<vmem>>, %arg11: memref<100352xf32, #tpu.memory_space<vmem_shared>>) attributes {dimension_semantics = [#tpu.dimension_semantics<core_parallel>, #tpu.dimension_semantics<subcore_parallel>], iteration_bounds = array<i64: 2, 16>, scalar_prefetch = 0 : i64, scratch_operands = 6 : i64, tpu.core_type = #tpu.core_type<sc_vector_subcore>, window_params = [{transform_indices = #map}, {transform_indices = #map}, {transform_indices = #map}, {transform_indices = #map}]} {
    %mul3A = arith.constant 2 : i32
    %mul3A_0 = arith.muli %arg1, %mul3A : i32
    %add3A = arith.addi %mul3A_0, %arg0 : i32
    %mul3A_1 = arith.constant 6272 : i32
    %mul3A_2 = arith.muli %arg1, %mul3A_1 : i32
    "tpu.region"() ({
      %run_scoped3A = tpu.sem_alloc : memref<!tpu.dma_semaphore, #tpu.memory_space<semaphore_mem>>
      %dma_start3A = tpu.memref_slice %arg4[%mul3A_2] : memref<200704xf32, #tpu.memory_space<hbm>> -> memref<6272xf32, #tpu.memory_space<hbm>>
      %dma_start3A_28 = tpu.memref_slice %arg4[%mul3A_2] : memref<200704xf32, #tpu.memory_space<hbm>> -> memref<6272xf32, #tpu.memory_space<hbm>>
      tpu.enqueue_dma source(%dma_start3A_28 : memref<6272xf32, #tpu.memory_space<hbm>>) target(%arg9 : memref<6272xf32, #tpu.memory_space<vmem>>) target_semaphore(%run_scoped3A : memref<!tpu.dma_semaphore, #tpu.memory_space<semaphore_mem>>)
      %dma_wait3A = tpu.memref_slice %arg4[%mul3A_2] : memref<200704xf32, #tpu.memory_space<hbm>> -> memref<6272xf32, #tpu.memory_space<hbm>>
      %dma_wait3A_29 = tpu.memref_slice %arg4[%mul3A_2] : memref<200704xf32, #tpu.memory_space<hbm>> -> memref<6272xf32, #tpu.memory_space<hbm>>
      tpu.wait_dma2 semaphore(%run_scoped3A : memref<!tpu.dma_semaphore, #tpu.memory_space<semaphore_mem>>) src(%dma_wait3A_29 : memref<6272xf32, #tpu.memory_space<hbm>>) dst(%arg9 : memref<6272xf32, #tpu.memory_space<vmem>>)
      tpu.yield
    }) : () -> ()
    %mul3A_3 = arith.constant 6272 : i32
    %mul3A_4 = arith.muli %arg1, %mul3A_3 : i32
    %add3A_5 = arith.constant 100352 : i32
    %add3A_6 = arith.addi %add3A_5, %mul3A_4 : i32
    "tpu.region"() ({
      %run_scoped3A = tpu.sem_alloc : memref<!tpu.dma_semaphore, #tpu.memory_space<semaphore_mem>>
      %dma_start3A = tpu.memref_slice %arg4[%add3A_6] : memref<200704xf32, #tpu.memory_space<hbm>> -> memref<6272xf32, #tpu.memory_space<hbm>>
      %dma_start3A_28 = tpu.memref_slice %arg4[%add3A_6] : memref<200704xf32, #tpu.memory_space<hbm>> -> memref<6272xf32, #tpu.memory_space<hbm>>
      tpu.enqueue_dma source(%dma_start3A_28 : memref<6272xf32, #tpu.memory_space<hbm>>) target(%arg10 : memref<6272xf32, #tpu.memory_space<vmem>>) target_semaphore(%run_scoped3A : memref<!tpu.dma_semaphore, #tpu.memory_space<semaphore_mem>>)
      %dma_wait3A = tpu.memref_slice %arg4[%add3A_6] : memref<200704xf32, #tpu.memory_space<hbm>> -> memref<6272xf32, #tpu.memory_space<hbm>>
      %dma_wait3A_29 = tpu.memref_slice %arg4[%add3A_6] : memref<200704xf32, #tpu.memory_space<hbm>> -> memref<6272xf32, #tpu.memory_space<hbm>>
      tpu.wait_dma2 semaphore(%run_scoped3A : memref<!tpu.dma_semaphore, #tpu.memory_space<semaphore_mem>>) src(%dma_wait3A_29 : memref<6272xf32, #tpu.memory_space<hbm>>) dst(%arg10 : memref<6272xf32, #tpu.memory_space<vmem>>)
      tpu.yield
    }) : () -> ()
    %scan3A = arith.constant 0 : i32
    %scan3A_7 = arith.constant 0 : i32
    %scan3A_8 = arith.constant 392 : i32
    %scan3A_9 = arith.addi %scan3A_7, %scan3A_8 : i32
    %scan3A_10 = arith.constant 1 : i32
    %scan3A_11 = scf.for %scan3A_28 = %scan3A_7 to %scan3A_9 step %scan3A_10 iter_args(%scan3A_29 = %scan3A) -> (i32)  : i32 {
      %mul3A_30 = arith.constant 16 : i32
      %mul3A_31 = arith.muli %scan3A_28, %mul3A_30 : i32
      %get3A = arith.index_cast %mul3A_31 : i32 to index
      %get3A_32 = tpu.vector_load %arg9[%get3A] {strides = array<i32>} : memref<6272xf32, #tpu.memory_space<vmem>>, vector<16xf32>,
      %get3A_33 = vector.shape_cast %get3A_32 : vector<16xf32> to vector<16xf32>
      %mul3A_34 = arith.constant 16 : i32
      %mul3A_35 = arith.muli %scan3A_28, %mul3A_34 : i32
      %get3A_36 = arith.index_cast %mul3A_35 : i32 to index
      %get3A_37 = tpu.vector_load %arg10[%get3A_36] {strides = array<i32>} : memref<6272xf32, #tpu.memory_space<vmem>>, vector<16xf32>,
      %get3A_38 = vector.shape_cast %get3A_37 : vector<16xf32> to vector<16xf32>
      %add3A_39 = arith.addf %get3A_33, %get3A_38 : vector<16xf32>
      %add3A_40 = arith.constant 9.99999997E-7 : f32
      %add3A_41 = vector.broadcast %add3A_40 : f32 to vector<16xf32>
      %add3A_42 = arith.addf %add3A_39, %add3A_41 : vector<16xf32>
      %mul3A_43 = arith.constant 16 : i32
      %mul3A_44 = arith.muli %scan3A_28, %mul3A_43 : i32
      %swap3A = arith.index_cast %mul3A_44 : i32 to index
      %swap3A_45 = tpu.vector_load %arg9[%swap3A] {strides = array<i32>} : memref<6272xf32, #tpu.memory_space<vmem>>, vector<16xf32>,
      %swap3A_46 = vector.shape_cast %swap3A_45 : vector<16xf32> to vector<16xf32>
      %swap3A_47 = vector.shape_cast %add3A_42 : vector<16xf32> to vector<16xf32>
      tpu.vector_store %arg9[%swap3A], %swap3A_47 {strides = array<i32>} : memref<6272xf32, #tpu.memory_space<vmem>>, vector<16xf32>,
      %scan3A_48 = arith.constant 0 : i32
      scf.yield %scan3A_48 : i32
    }
    %scan3A_12 = arith.constant 392 : i32
    %mul3A_13 = arith.constant 6272 : i32
    %mul3A_14 = arith.muli %arg1, %mul3A_13 : i32
    "tpu.region"() ({
      %run_scoped3A = tpu.sem_alloc : memref<!tpu.dma_semaphore, #tpu.memory_space<semaphore_mem>>
      %dma_start3A = tpu.memref_slice %arg11[%mul3A_14] : memref<100352xf32, #tpu.memory_space<vmem_shared>> -> memref<6272xf32, #tpu.memory_space<vmem_shared>>
      %dma_start3A_28 = tpu.memref_slice %arg11[%mul3A_14] : memref<100352xf32, #tpu.memory_space<vmem_shared>> -> memref<6272xf32, #tpu.memory_space<vmem_shared>>
      tpu.enqueue_dma source(%arg9 : memref<6272xf32, #tpu.memory_space<vmem>>) target(%dma_start3A_28 : memref<6272xf32, #tpu.memory_space<vmem_shared>>) target_semaphore(%run_scoped3A : memref<!tpu.dma_semaphore, #tpu.memory_space<semaphore_mem>>)
      %dma_wait3A = tpu.memref_slice %arg11[%mul3A_14] : memref<100352xf32, #tpu.memory_space<vmem_shared>> -> memref<6272xf32, #tpu.memory_space<vmem_shared>>
      %dma_wait3A_29 = tpu.memref_slice %arg11[%mul3A_14] : memref<100352xf32, #tpu.memory_space<vmem_shared>> -> memref<6272xf32, #tpu.memory_space<vmem_shared>>
      tpu.wait_dma2 semaphore(%run_scoped3A : memref<!tpu.dma_semaphore, #tpu.memory_space<semaphore_mem>>) src(%arg9 : memref<6272xf32, #tpu.memory_space<vmem>>) dst(%dma_wait3A_29 : memref<6272xf32, #tpu.memory_space<vmem_shared>>)
      tpu.yield
    }) : () -> ()
    %barrier3A = arith.constant 0 : index
    tpu.barrier barrier_id(%barrier3A)
    %mul3A_15 = arith.constant 390 : i32
    %mul3A_16 = arith.muli %add3A, %mul3A_15 : i32
    %min3A = arith.constant 20 : i32
    %min3A_17 = arith.minsi %add3A, %min3A : i32
    %add3A_18 = arith.addi %mul3A_16, %min3A_17 : i32
    %scan3A_19 = arith.constant 0 : i32
    %scan3A_20 = arith.constant 0 : i32
    %scan3A_21 = arith.constant 26 : i32
    %scan3A_22 = arith.addi %scan3A_20, %scan3A_21 : i32
    %scan3A_23 = arith.constant 1 : i32
    %scan3A_24 = scf.for %scan3A_28 = %scan3A_20 to %scan3A_22 step %scan3A_23 iter_args(%scan3A_29 = %scan3A_19) -> (i32)  : i32 {
      %mul3A_30 = arith.constant 15 : i32
      %mul3A_31 = arith.muli %scan3A_28, %mul3A_30 : i32
      %add3A_32 = arith.addi %add3A_18, %mul3A_31 : i32
      %mul3A_33 = arith.constant 128 : i32
      %mul3A_34 = arith.muli %add3A_32, %mul3A_33 : i32
      "tpu.region"() ({
        %run_scoped3A = tpu.sem_alloc : memref<!tpu.dma_semaphore, #tpu.memory_space<semaphore_mem>>
        %dma_start3A = arith.constant 0 : i32
        %dma_start3A_54 = tpu.memref_slice %arg6[%dma_start3A] : memref<1920xi32, #tpu.memory_space<vmem>> -> memref<1920xi32, #tpu.memory_space<vmem>>
        %dma_start3A_55 = tpu.memref_slice %arg3[%mul3A_34] : memref<1600000xi32, #tpu.memory_space<hbm>> -> memref<1920xi32, #tpu.memory_space<hbm>>
        %dma_start3A_56 = arith.constant 0 : i32
        %dma_start3A_57 = tpu.memref_slice %arg6[%dma_start3A_56] : memref<1920xi32, #tpu.memory_space<vmem>> -> memref<1920xi32, #tpu.memory_space<vmem>>
        %dma_start3A_58 = tpu.memref_slice %arg3[%mul3A_34] : memref<1600000xi32, #tpu.memory_space<hbm>> -> memref<1920xi32, #tpu.memory_space<hbm>>
        tpu.enqueue_dma source(%dma_start3A_58 : memref<1920xi32, #tpu.memory_space<hbm>>) target(%dma_start3A_57 : memref<1920xi32, #tpu.memory_space<vmem>>) target_semaphore(%run_scoped3A : memref<!tpu.dma_semaphore, #tpu.memory_space<semaphore_mem>>)
        %dma_wait3A = arith.constant 0 : i32
        %dma_wait3A_59 = tpu.memref_slice %arg6[%dma_wait3A] : memref<1920xi32, #tpu.memory_space<vmem>> -> memref<1920xi32, #tpu.memory_space<vmem>>
        %dma_wait3A_60 = tpu.memref_slice %arg3[%mul3A_34] : memref<1600000xi32, #tpu.memory_space<hbm>> -> memref<1920xi32, #tpu.memory_space<hbm>>
        %dma_wait3A_61 = arith.constant 0 : i32
        %dma_wait3A_62 = tpu.memref_slice %arg6[%dma_wait3A_61] : memref<1920xi32, #tpu.memory_space<vmem>> -> memref<1920xi32, #tpu.memory_space<vmem>>
        %dma_wait3A_63 = tpu.memref_slice %arg3[%mul3A_34] : memref<1600000xi32, #tpu.memory_space<hbm>> -> memref<1920xi32, #tpu.memory_space<hbm>>
        tpu.wait_dma2 semaphore(%run_scoped3A : memref<!tpu.dma_semaphore, #tpu.memory_space<semaphore_mem>>) src(%dma_wait3A_63 : memref<1920xi32, #tpu.memory_space<hbm>>) dst(%dma_wait3A_62 : memref<1920xi32, #tpu.memory_space<vmem>>)
        tpu.yield
      }) : () -> ()
      %mul3A_35 = arith.constant 128 : i32
      %mul3A_36 = arith.muli %add3A_32, %mul3A_35 : i32
      "tpu.region"() ({
        %run_scoped3A = tpu.sem_alloc : memref<!tpu.dma_semaphore, #tpu.memory_space<semaphore_mem>>
        %dma_start3A = arith.constant 0 : i32
        %dma_start3A_54 = tpu.memref_slice %arg7[%dma_start3A] : memref<1920xf32, #tpu.memory_space<vmem>> -> memref<1920xf32, #tpu.memory_space<vmem>>
        %dma_start3A_55 = tpu.memref_slice %arg2[%mul3A_36] : memref<1600000xf32, #tpu.memory_space<hbm>> -> memref<1920xf32, #tpu.memory_space<hbm>>
        %dma_start3A_56 = arith.constant 0 : i32
        %dma_start3A_57 = tpu.memref_slice %arg7[%dma_start3A_56] : memref<1920xf32, #tpu.memory_space<vmem>> -> memref<1920xf32, #tpu.memory_space<vmem>>
        %dma_start3A_58 = tpu.memref_slice %arg2[%mul3A_36] : memref<1600000xf32, #tpu.memory_space<hbm>> -> memref<1920xf32, #tpu.memory_space<hbm>>
        tpu.enqueue_dma source(%dma_start3A_58 : memref<1920xf32, #tpu.memory_space<hbm>>) target(%dma_start3A_57 : memref<1920xf32, #tpu.memory_space<vmem>>) target_semaphore(%run_scoped3A : memref<!tpu.dma_semaphore, #tpu.memory_space<semaphore_mem>>)
        %dma_wait3A = arith.constant 0 : i32
        %dma_wait3A_59 = tpu.memref_slice %arg7[%dma_wait3A] : memref<1920xf32, #tpu.memory_space<vmem>> -> memref<1920xf32, #tpu.memory_space<vmem>>
        %dma_wait3A_60 = tpu.memref_slice %arg2[%mul3A_36] : memref<1600000xf32, #tpu.memory_space<hbm>> -> memref<1920xf32, #tpu.memory_space<hbm>>
        %dma_wait3A_61 = arith.constant 0 : i32
        %dma_wait3A_62 = tpu.memref_slice %arg7[%dma_wait3A_61] : memref<1920xf32, #tpu.memory_space<vmem>> -> memref<1920xf32, #tpu.memory_space<vmem>>
        %dma_wait3A_63 = tpu.memref_slice %arg2[%mul3A_36] : memref<1600000xf32, #tpu.memory_space<hbm>> -> memref<1920xf32, #tpu.memory_space<hbm>>
        tpu.wait_dma2 semaphore(%run_scoped3A : memref<!tpu.dma_semaphore, #tpu.memory_space<semaphore_mem>>) src(%dma_wait3A_63 : memref<1920xf32, #tpu.memory_space<hbm>>) dst(%dma_wait3A_62 : memref<1920xf32, #tpu.memory_space<vmem>>)
        tpu.yield
      }) : () -> ()
      %scan3A_37 = arith.constant 0 : i32
      %scan3A_38 = arith.constant 0 : i32
      %scan3A_39 = arith.constant 15 : i32
      %scan3A_40 = arith.addi %scan3A_38, %scan3A_39 : i32
      %scan3A_41 = arith.constant 1 : i32
      %scan3A_42 = scf.for %scan3A_54 = %scan3A_38 to %scan3A_40 step %scan3A_41 iter_args(%scan3A_55 = %scan3A_37) -> (i32)  : i32 {
        %mul3A_56 = arith.constant 128 : i32
        %mul3A_57 = arith.muli %scan3A_54, %mul3A_56 : i32
        %mul3A_58 = arith.constant 128 : i32
        %mul3A_59 = arith.muli %scan3A_54, %mul3A_58 : i32
        "tpu.region"() ({
          %run_scoped3A = tpu.sem_alloc : memref<!tpu.dma_semaphore, #tpu.memory_space<semaphore_mem>>
          %dma_start3A = tpu.memref_slice %arg8[%mul3A_59] : memref<1920xf32, #tpu.memory_space<vmem>> -> memref<128xf32, #tpu.memory_space<vmem>>
          %dma_start3A_61 = tpu.memref_slice %arg6[%mul3A_57] : memref<1920xi32, #tpu.memory_space<vmem>> -> memref<128xi32, #tpu.memory_space<vmem>>
          %dma_start3A_62 = arith.constant 0 : i32
          %dma_start3A_63 = tpu.memref_slice %arg11[%dma_start3A_62] : memref<100352xf32, #tpu.memory_space<vmem_shared>> -> memref<100352xf32, #tpu.memory_space<vmem_shared>>
          tpu.enqueue_indirect_dma source(%dma_start3A_63 : memref<100352xf32, #tpu.memory_space<vmem_shared>>) target(%dma_start3A : memref<128xf32, #tpu.memory_space<vmem>>) offsets(%dma_start3A_61 : memref<128xi32, #tpu.memory_space<vmem>>) semaphore(%run_scoped3A : memref<!tpu.dma_semaphore, #tpu.memory_space<semaphore_mem>>)
          %dma_wait3A = tpu.memref_slice %arg8[%mul3A_59] : memref<1920xf32, #tpu.memory_space<vmem>> -> memref<128xf32, #tpu.memory_space<vmem>>
          %dma_wait3A_64 = tpu.memref_slice %arg6[%mul3A_57] : memref<1920xi32, #tpu.memory_space<vmem>> -> memref<128xi32, #tpu.memory_space<vmem>>
          %dma_wait3A_65 = arith.constant 0 : i32
          %dma_wait3A_66 = tpu.memref_slice %arg11[%dma_wait3A_65] : memref<100352xf32, #tpu.memory_space<vmem_shared>> -> memref<100352xf32, #tpu.memory_space<vmem_shared>>
          tpu.wait_indirect_dma semaphore(%run_scoped3A : memref<!tpu.dma_semaphore, #tpu.memory_space<semaphore_mem>>) src(%dma_wait3A_66 : memref<100352xf32, #tpu.memory_space<vmem_shared>>) dst(%dma_wait3A : memref<128xf32, #tpu.memory_space<vmem>>)
          tpu.yield
        }) : () -> ()
        %scan3A_60 = arith.constant 0 : i32
        scf.yield %scan3A_60 : i32
      }
      %scan3A_43 = arith.constant 15 : i32
      %scan3A_44 = arith.constant 0 : i32
      %scan3A_45 = arith.constant 0 : i32
      %scan3A_46 = arith.constant 120 : i32
      %scan3A_47 = arith.addi %scan3A_45, %scan3A_46 : i32
      %scan3A_48 = arith.constant 1 : i32
      %scan3A_49 = scf.for %scan3A_54 = %scan3A_45 to %scan3A_47 step %scan3A_48 iter_args(%scan3A_55 = %scan3A_44) -> (i32)  : i32 {
        %mul3A_56 = arith.constant 16 : i32
        %mul3A_57 = arith.muli %scan3A_54, %mul3A_56 : i32
        %get3A = arith.index_cast %mul3A_57 : i32 to index
        %get3A_58 = tpu.vector_load %arg7[%get3A] {strides = array<i32>} : memref<1920xf32, #tpu.memory_space<vmem>>, vector<16xf32>,
        %get3A_59 = vector.shape_cast %get3A_58 : vector<16xf32> to vector<16xf32>
        %exp3A = math.exp %get3A_59 : vector<16xf32>
        %mul3A_60 = arith.constant 16 : i32
        %mul3A_61 = arith.muli %scan3A_54, %mul3A_60 : i32
        %get3A_62 = arith.index_cast %mul3A_61 : i32 to index
        %get3A_63 = tpu.vector_load %arg8[%get3A_62] {strides = array<i32>} : memref<1920xf32, #tpu.memory_space<vmem>>, vector<16xf32>,
        %get3A_64 = vector.shape_cast %get3A_63 : vector<16xf32> to vector<16xf32>
        %div3A = arith.divf %exp3A, %get3A_64 : vector<16xf32>
        %jit3A = arith.constant 9.99999997E-7 : f32
        %jit3A_65 = arith.constant 0.999998986 : f32
        %max3A = vector.broadcast %jit3A : f32 to vector<16xf32>
        %max3A_66 = arith.maximumf %max3A, %div3A : vector<16xf32>
        %min3A_67 = vector.broadcast %jit3A_65 : f32 to vector<16xf32>
        %min3A_68 = arith.minimumf %min3A_67, %max3A_66 : vector<16xf32>
        %mul3A_69 = arith.constant 16 : i32
        %mul3A_70 = arith.muli %scan3A_54, %mul3A_69 : i32
        %swap3A = arith.index_cast %mul3A_70 : i32 to index
        %swap3A_71 = tpu.vector_load %arg7[%swap3A] {strides = array<i32>} : memref<1920xf32, #tpu.memory_space<vmem>>, vector<16xf32>,
        %swap3A_72 = vector.shape_cast %swap3A_71 : vector<16xf32> to vector<16xf32>
        %swap3A_73 = vector.shape_cast %min3A_68 : vector<16xf32> to vector<16xf32>
        tpu.vector_store %arg7[%swap3A], %swap3A_73 {strides = array<i32>} : memref<1920xf32, #tpu.memory_space<vmem>>, vector<16xf32>,
        %scan3A_74 = arith.constant 0 : i32
        scf.yield %scan3A_74 : i32
      }
      %scan3A_50 = arith.constant 120 : i32
      %mul3A_51 = arith.constant 128 : i32
      %mul3A_52 = arith.muli %add3A_32, %mul3A_51 : i32
      "tpu.region"() ({
        %run_scoped3A = tpu.sem_alloc : memref<!tpu.dma_semaphore, #tpu.memory_space<semaphore_mem>>
        %dma_start3A = arith.constant 0 : i32
        %dma_start3A_54 = tpu.memref_slice %arg7[%dma_start3A] : memref<1920xf32, #tpu.memory_space<vmem>> -> memref<1920xf32, #tpu.memory_space<vmem>>
        %dma_start3A_55 = tpu.memref_slice %arg5[%mul3A_52] : memref<1600000xf32, #tpu.memory_space<hbm>> -> memref<1920xf32, #tpu.memory_space<hbm>>
        %dma_start3A_56 = tpu.memref_slice %arg5[%mul3A_52] : memref<1600000xf32, #tpu.memory_space<hbm>> -> memref<1920xf32, #tpu.memory_space<hbm>>
        %dma_start3A_57 = arith.constant 0 : i32
        %dma_start3A_58 = tpu.memref_slice %arg7[%dma_start3A_57] : memref<1920xf32, #tpu.memory_space<vmem>> -> memref<1920xf32, #tpu.memory_space<vmem>>
        tpu.enqueue_dma source(%dma_start3A_58 : memref<1920xf32, #tpu.memory_space<vmem>>) target(%dma_start3A_56 : memref<1920xf32, #tpu.memory_space<hbm>>) target_semaphore(%run_scoped3A : memref<!tpu.dma_semaphore, #tpu.memory_space<semaphore_mem>>)
        %dma_wait3A = arith.constant 0 : i32
        %dma_wait3A_59 = tpu.memref_slice %arg7[%dma_wait3A] : memref<1920xf32, #tpu.memory_space<vmem>> -> memref<1920xf32, #tpu.memory_space<vmem>>
        %dma_wait3A_60 = tpu.memref_slice %arg5[%mul3A_52] : memref<1600000xf32, #tpu.memory_space<hbm>> -> memref<1920xf32, #tpu.memory_space<hbm>>
        %dma_wait3A_61 = tpu.memref_slice %arg5[%mul3A_52] : memref<1600000xf32, #tpu.memory_space<hbm>> -> memref<1920xf32, #tpu.memory_space<hbm>>
        %dma_wait3A_62 = arith.constant 0 : i32
        %dma_wait3A_63 = tpu.memref_slice %arg7[%dma_wait3A_62] : memref<1920xf32, #tpu.memory_space<vmem>> -> memref<1920xf32, #tpu.memory_space<vmem>>
        tpu.wait_dma2 semaphore(%run_scoped3A : memref<!tpu.dma_semaphore, #tpu.memory_space<semaphore_mem>>) src(%dma_wait3A_63 : memref<1920xf32, #tpu.memory_space<vmem>>) dst(%dma_wait3A_61 : memref<1920xf32, #tpu.memory_space<hbm>>)
        tpu.yield
      }) : () -> ()
      %scan3A_53 = arith.constant 0 : i32
      scf.yield %scan3A_53 : i32
    }
    %scan3A_25 = arith.constant 26 : i32
    %lt3A = arith.constant 20 : i32
    %lt3A_26 = arith.cmpi slt, %add3A, %lt3A : i32
    %convert_element_type3A = arith.extui %lt3A_26 : i1 to i32
    %cond3A = arith.constant 0 : i32
    %cond3A_27 = arith.cmpi ne, %convert_element_type3A, %cond3A : i32
    scf.if %cond3A_27 {
      %add3A_28 = arith.constant 390 : i32
      %add3A_29 = arith.addi %add3A_18, %add3A_28 : i32
      %mul3A_30 = arith.constant 128 : i32
      %mul3A_31 = arith.muli %add3A_29, %mul3A_30 : i32
      "tpu.region"() ({
        %run_scoped3A = tpu.sem_alloc : memref<!tpu.dma_semaphore, #tpu.memory_space<semaphore_mem>>
        %dma_start3A = arith.constant 0 : i32
        %dma_start3A_51 = tpu.memref_slice %arg6[%dma_start3A] : memref<1920xi32, #tpu.memory_space<vmem>> -> memref<128xi32, #tpu.memory_space<vmem>>
        %dma_start3A_52 = tpu.memref_slice %arg3[%mul3A_31] : memref<1600000xi32, #tpu.memory_space<hbm>> -> memref<128xi32, #tpu.memory_space<hbm>>
        %dma_start3A_53 = arith.constant 0 : i32
        %dma_start3A_54 = tpu.memref_slice %arg6[%dma_start3A_53] : memref<1920xi32, #tpu.memory_space<vmem>> -> memref<128xi32, #tpu.memory_space<vmem>>
        %dma_start3A_55 = tpu.memref_slice %arg3[%mul3A_31] : memref<1600000xi32, #tpu.memory_space<hbm>> -> memref<128xi32, #tpu.memory_space<hbm>>
        tpu.enqueue_dma source(%dma_start3A_55 : memref<128xi32, #tpu.memory_space<hbm>>) target(%dma_start3A_54 : memref<128xi32, #tpu.memory_space<vmem>>) target_semaphore(%run_scoped3A : memref<!tpu.dma_semaphore, #tpu.memory_space<semaphore_mem>>)
        %dma_wait3A = arith.constant 0 : i32
        %dma_wait3A_56 = tpu.memref_slice %arg6[%dma_wait3A] : memref<1920xi32, #tpu.memory_space<vmem>> -> memref<128xi32, #tpu.memory_space<vmem>>
        %dma_wait3A_57 = tpu.memref_slice %arg3[%mul3A_31] : memref<1600000xi32, #tpu.memory_space<hbm>> -> memref<128xi32, #tpu.memory_space<hbm>>
        %dma_wait3A_58 = arith.constant 0 : i32
        %dma_wait3A_59 = tpu.memref_slice %arg6[%dma_wait3A_58] : memref<1920xi32, #tpu.memory_space<vmem>> -> memref<128xi32, #tpu.memory_space<vmem>>
        %dma_wait3A_60 = tpu.memref_slice %arg3[%mul3A_31] : memref<1600000xi32, #tpu.memory_space<hbm>> -> memref<128xi32, #tpu.memory_space<hbm>>
        tpu.wait_dma2 semaphore(%run_scoped3A : memref<!tpu.dma_semaphore, #tpu.memory_space<semaphore_mem>>) src(%dma_wait3A_60 : memref<128xi32, #tpu.memory_space<hbm>>) dst(%dma_wait3A_59 : memref<128xi32, #tpu.memory_space<vmem>>)
        tpu.yield
      }) : () -> ()
      %mul3A_32 = arith.constant 128 : i32
      %mul3A_33 = arith.muli %add3A_29, %mul3A_32 : i32
      "tpu.region"() ({
        %run_scoped3A = tpu.sem_alloc : memref<!tpu.dma_semaphore, #tpu.memory_space<semaphore_mem>>
        %dma_start3A = arith.constant 0 : i32
        %dma_start3A_51 = tpu.memref_slice %arg7[%dma_start3A] : memref<1920xf32, #tpu.memory_space<vmem>> -> memref<128xf32, #tpu.memory_space<vmem>>
        %dma_start3A_52 = tpu.memref_slice %arg2[%mul3A_33] : memref<1600000xf32, #tpu.memory_space<hbm>> -> memref<128xf32, #tpu.memory_space<hbm>>
        %dma_start3A_53 = arith.constant 0 : i32
        %dma_start3A_54 = tpu.memref_slice %arg7[%dma_start3A_53] : memref<1920xf32, #tpu.memory_space<vmem>> -> memref<128xf32, #tpu.memory_space<vmem>>
        %dma_start3A_55 = tpu.memref_slice %arg2[%mul3A_33] : memref<1600000xf32, #tpu.memory_space<hbm>> -> memref<128xf32, #tpu.memory_space<hbm>>
        tpu.enqueue_dma source(%dma_start3A_55 : memref<128xf32, #tpu.memory_space<hbm>>) target(%dma_start3A_54 : memref<128xf32, #tpu.memory_space<vmem>>) target_semaphore(%run_scoped3A : memref<!tpu.dma_semaphore, #tpu.memory_space<semaphore_mem>>)
        %dma_wait3A = arith.constant 0 : i32
        %dma_wait3A_56 = tpu.memref_slice %arg7[%dma_wait3A] : memref<1920xf32, #tpu.memory_space<vmem>> -> memref<128xf32, #tpu.memory_space<vmem>>
        %dma_wait3A_57 = tpu.memref_slice %arg2[%mul3A_33] : memref<1600000xf32, #tpu.memory_space<hbm>> -> memref<128xf32, #tpu.memory_space<hbm>>
        %dma_wait3A_58 = arith.constant 0 : i32
        %dma_wait3A_59 = tpu.memref_slice %arg7[%dma_wait3A_58] : memref<1920xf32, #tpu.memory_space<vmem>> -> memref<128xf32, #tpu.memory_space<vmem>>
        %dma_wait3A_60 = tpu.memref_slice %arg2[%mul3A_33] : memref<1600000xf32, #tpu.memory_space<hbm>> -> memref<128xf32, #tpu.memory_space<hbm>>
        tpu.wait_dma2 semaphore(%run_scoped3A : memref<!tpu.dma_semaphore, #tpu.memory_space<semaphore_mem>>) src(%dma_wait3A_60 : memref<128xf32, #tpu.memory_space<hbm>>) dst(%dma_wait3A_59 : memref<128xf32, #tpu.memory_space<vmem>>)
        tpu.yield
      }) : () -> ()
      %scan3A_34 = arith.constant 0 : i32
      %scan3A_35 = arith.constant 0 : i32
      %mul3A_36 = arith.constant 128 : i32
      %mul3A_37 = arith.muli %scan3A_35, %mul3A_36 : i32
      %mul3A_38 = arith.constant 128 : i32
      %mul3A_39 = arith.muli %scan3A_35, %mul3A_38 : i32
      "tpu.region"() ({
        %run_scoped3A = tpu.sem_alloc : memref<!tpu.dma_semaphore, #tpu.memory_space<semaphore_mem>>
        %dma_start3A = tpu.memref_slice %arg8[%mul3A_39] : memref<1920xf32, #tpu.memory_space<vmem>> -> memref<128xf32, #tpu.memory_space<vmem>>
        %dma_start3A_51 = tpu.memref_slice %arg6[%mul3A_37] : memref<1920xi32, #tpu.memory_space<vmem>> -> memref<128xi32, #tpu.memory_space<vmem>>
        %dma_start3A_52 = arith.constant 0 : i32
        %dma_start3A_53 = tpu.memref_slice %arg11[%dma_start3A_52] : memref<100352xf32, #tpu.memory_space<vmem_shared>> -> memref<100352xf32, #tpu.memory_space<vmem_shared>>
        tpu.enqueue_indirect_dma source(%dma_start3A_53 : memref<100352xf32, #tpu.memory_space<vmem_shared>>) target(%dma_start3A : memref<128xf32, #tpu.memory_space<vmem>>) offsets(%dma_start3A_51 : memref<128xi32, #tpu.memory_space<vmem>>) semaphore(%run_scoped3A : memref<!tpu.dma_semaphore, #tpu.memory_space<semaphore_mem>>)
        %dma_wait3A = tpu.memref_slice %arg8[%mul3A_39] : memref<1920xf32, #tpu.memory_space<vmem>> -> memref<128xf32, #tpu.memory_space<vmem>>
        %dma_wait3A_54 = tpu.memref_slice %arg6[%mul3A_37] : memref<1920xi32, #tpu.memory_space<vmem>> -> memref<128xi32, #tpu.memory_space<vmem>>
        %dma_wait3A_55 = arith.constant 0 : i32
        %dma_wait3A_56 = tpu.memref_slice %arg11[%dma_wait3A_55] : memref<100352xf32, #tpu.memory_space<vmem_shared>> -> memref<100352xf32, #tpu.memory_space<vmem_shared>>
        tpu.wait_indirect_dma semaphore(%run_scoped3A : memref<!tpu.dma_semaphore, #tpu.memory_space<semaphore_mem>>) src(%dma_wait3A_56 : memref<100352xf32, #tpu.memory_space<vmem_shared>>) dst(%dma_wait3A : memref<128xf32, #tpu.memory_space<vmem>>)
        tpu.yield
      }) : () -> ()
      %scan3A_40 = arith.constant 0 : i32
      %scan3A_41 = arith.constant 1 : i32
      %scan3A_42 = arith.constant 0 : i32
      %scan3A_43 = arith.constant 0 : i32
      %scan3A_44 = arith.constant 8 : i32
      %scan3A_45 = arith.addi %scan3A_43, %scan3A_44 : i32
      %scan3A_46 = arith.constant 1 : i32
      %scan3A_47 = scf.for %scan3A_51 = %scan3A_43 to %scan3A_45 step %scan3A_46 iter_args(%scan3A_52 = %scan3A_42) -> (i32)  : i32 {
        %mul3A_53 = arith.constant 16 : i32
        %mul3A_54 = arith.muli %scan3A_51, %mul3A_53 : i32
        %get3A = arith.index_cast %mul3A_54 : i32 to index
        %get3A_55 = tpu.vector_load %arg7[%get3A] {strides = array<i32>} : memref<1920xf32, #tpu.memory_space<vmem>>, vector<16xf32>,
        %get3A_56 = vector.shape_cast %get3A_55 : vector<16xf32> to vector<16xf32>
        %exp3A = math.exp %get3A_56 : vector<16xf32>
        %mul3A_57 = arith.constant 16 : i32
        %mul3A_58 = arith.muli %scan3A_51, %mul3A_57 : i32
        %get3A_59 = arith.index_cast %mul3A_58 : i32 to index
        %get3A_60 = tpu.vector_load %arg8[%get3A_59] {strides = array<i32>} : memref<1920xf32, #tpu.memory_space<vmem>>, vector<16xf32>,
        %get3A_61 = vector.shape_cast %get3A_60 : vector<16xf32> to vector<16xf32>
        %div3A = arith.divf %exp3A, %get3A_61 : vector<16xf32>
        %jit3A = arith.constant 9.99999997E-7 : f32
        %jit3A_62 = arith.constant 0.999998986 : f32
        %max3A = vector.broadcast %jit3A : f32 to vector<16xf32>
        %max3A_63 = arith.maximumf %max3A, %div3A : vector<16xf32>
        %min3A_64 = vector.broadcast %jit3A_62 : f32 to vector<16xf32>
        %min3A_65 = arith.minimumf %min3A_64, %max3A_63 : vector<16xf32>
        %mul3A_66 = arith.constant 16 : i32
        %mul3A_67 = arith.muli %scan3A_51, %mul3A_66 : i32
        %swap3A = arith.index_cast %mul3A_67 : i32 to index
        %swap3A_68 = tpu.vector_load %arg7[%swap3A] {strides = array<i32>} : memref<1920xf32, #tpu.memory_space<vmem>>, vector<16xf32>,
        %swap3A_69 = vector.shape_cast %swap3A_68 : vector<16xf32> to vector<16xf32>
        %swap3A_70 = vector.shape_cast %min3A_65 : vector<16xf32> to vector<16xf32>
        tpu.vector_store %arg7[%swap3A], %swap3A_70 {strides = array<i32>} : memref<1920xf32, #tpu.memory_space<vmem>>, vector<16xf32>,
        %scan3A_71 = arith.constant 0 : i32
        scf.yield %scan3A_71 : i32
      }
      %scan3A_48 = arith.constant 8 : i32
      %mul3A_49 = arith.constant 128 : i32
      %mul3A_50 = arith.muli %add3A_29, %mul3A_49 : i32
      "tpu.region"() ({
        %run_scoped3A = tpu.sem_alloc : memref<!tpu.dma_semaphore, #tpu.memory_space<semaphore_mem>>
        %dma_start3A = arith.constant 0 : i32
        %dma_start3A_51 = tpu.memref_slice %arg7[%dma_start3A] : memref<1920xf32, #tpu.memory_space<vmem>> -> memref<128xf32, #tpu.memory_space<vmem>>
        %dma_start3A_52 = tpu.memref_slice %arg5[%mul3A_50] : memref<1600000xf32, #tpu.memory_space<hbm>> -> memref<128xf32, #tpu.memory_space<hbm>>
        %dma_start3A_53 = tpu.memref_slice %arg5[%mul3A_50] : memref<1600000xf32, #tpu.memory_space<hbm>> -> memref<128xf32, #tpu.memory_space<hbm>>
        %dma_start3A_54 = arith.constant 0 : i32
        %dma_start3A_55 = tpu.memref_slice %arg7[%dma_start3A_54] : memref<1920xf32, #tpu.memory_space<vmem>> -> memref<128xf32, #tpu.memory_space<vmem>>
        tpu.enqueue_dma source(%dma_start3A_55 : memref<128xf32, #tpu.memory_space<vmem>>) target(%dma_start3A_53 : memref<128xf32, #tpu.memory_space<hbm>>) target_semaphore(%run_scoped3A : memref<!tpu.dma_semaphore, #tpu.memory_space<semaphore_mem>>)
        %dma_wait3A = arith.constant 0 : i32
        %dma_wait3A_56 = tpu.memref_slice %arg7[%dma_wait3A] : memref<1920xf32, #tpu.memory_space<vmem>> -> memref<128xf32, #tpu.memory_space<vmem>>
        %dma_wait3A_57 = tpu.memref_slice %arg5[%mul3A_50] : memref<1600000xf32, #tpu.memory_space<hbm>> -> memref<128xf32, #tpu.memory_space<hbm>>
        %dma_wait3A_58 = tpu.memref_slice %arg5[%mul3A_50] : memref<1600000xf32, #tpu.memory_space<hbm>> -> memref<128xf32, #tpu.memory_space<hbm>>
        %dma_wait3A_59 = arith.constant 0 : i32
        %dma_wait3A_60 = tpu.memref_slice %arg7[%dma_wait3A_59] : memref<1920xf32, #tpu.memory_space<vmem>> -> memref<128xf32, #tpu.memory_space<vmem>>
        tpu.wait_dma2 semaphore(%run_scoped3A : memref<!tpu.dma_semaphore, #tpu.memory_space<semaphore_mem>>) src(%dma_wait3A_60 : memref<128xf32, #tpu.memory_space<vmem>>) dst(%dma_wait3A_58 : memref<128xf32, #tpu.memory_space<hbm>>)
        tpu.yield
      }) : () -> ()
    } else {
    }
    return
  }
}

#map = affine_map<(d0, d1) -> (0)>
module attributes {stable_mosaic.version = 14 : i64} {
  func.func @_aggregate(%arg0: i32, %arg1: i32, %arg2: memref<6400000xf32, #tpu.memory_space<hbm>>, %arg3: memref<6400000xi32, #tpu.memory_space<hbm>>, %arg4: memref<6400000xi32, #tpu.memory_space<hbm>>, %arg5: memref<1600000xf32, #tpu.memory_space<hbm>>, %arg6: memref<200704xf32, #tpu.memory_space<hbm>>, %arg7: memref<2816xi32, #tpu.memory_space<vmem>>, %arg8: memref<2816xi32, #tpu.memory_space<vmem>>, %arg9: memref<2816xf32, #tpu.memory_space<vmem>>, %arg10: memref<2816xf32, #tpu.memory_space<vmem>>, %arg11: memref<10000xf32, #tpu.memory_space<vmem>>, %arg12: memref<1600000xf32, #tpu.memory_space<vmem_shared>>, %arg13: memref<100352xf32, #tpu.memory_space<vmem_shared>>) attributes {dimension_semantics = [#tpu.dimension_semantics<core_parallel>, #tpu.dimension_semantics<subcore_parallel>], iteration_bounds = array<i64: 2, 16>, scalar_prefetch = 0 : i64, scratch_operands = 7 : i64, tpu.core_type = #tpu.core_type<sc_vector_subcore>, window_params = [{transform_indices = #map}, {transform_indices = #map}, {transform_indices = #map}, {transform_indices = #map}, {transform_indices = #map}]} {
    %mul3A = arith.constant 2 : i32
    %mul3A_0 = arith.muli %arg1, %mul3A : i32
    %add3A = arith.addi %mul3A_0, %arg0 : i32
    %scan3A = arith.constant 0 : i32
    %scan3A_1 = arith.constant 0 : i32
    %scan3A_2 = arith.constant 392 : i32
    %scan3A_3 = arith.addi %scan3A_1, %scan3A_2 : i32
    %scan3A_4 = arith.constant 1 : i32
    %scan3A_5 = scf.for %scan3A_37 = %scan3A_1 to %scan3A_3 step %scan3A_4 iter_args(%scan3A_38 = %scan3A) -> (i32)  : i32 {
      %broadcast_in_dim3A = arith.constant 0.000000e+00 : f32
      %broadcast_in_dim3A_39 = vector.broadcast %broadcast_in_dim3A : f32 to vector<16xf32>
      %mul3A_40 = arith.constant 16 : i32
      %mul3A_41 = arith.muli %scan3A_37, %mul3A_40 : i32
      %swap3A = arith.index_cast %mul3A_41 : i32 to index
      %swap3A_42 = tpu.vector_load %arg11[%swap3A] {strides = array<i32>} : memref<10000xf32, #tpu.memory_space<vmem>>, vector<16xf32>,
      %swap3A_43 = vector.shape_cast %swap3A_42 : vector<16xf32> to vector<16xf32>
      %swap3A_44 = vector.shape_cast %broadcast_in_dim3A_39 : vector<16xf32> to vector<16xf32>
      tpu.vector_store %arg11[%swap3A], %swap3A_44 {strides = array<i32>} : memref<10000xf32, #tpu.memory_space<vmem>>, vector<16xf32>,
      %scan3A_45 = arith.constant 0 : i32
      scf.yield %scan3A_45 : i32
    }
    %scan3A_6 = arith.constant 392 : i32
    %mul3A_7 = arith.constant 6272 : i32
    %mul3A_8 = arith.muli %arg1, %mul3A_7 : i32
    "tpu.region"() ({
      %run_scoped3A = tpu.sem_alloc : memref<!tpu.dma_semaphore, #tpu.memory_space<semaphore_mem>>
      %dma_start3A = arith.constant 0 : i32
      %dma_start3A_37 = tpu.memref_slice %arg11[%dma_start3A] : memref<10000xf32, #tpu.memory_space<vmem>> -> memref<6272xf32, #tpu.memory_space<vmem>>
      %dma_start3A_38 = tpu.memref_slice %arg13[%mul3A_8] : memref<100352xf32, #tpu.memory_space<vmem_shared>> -> memref<6272xf32, #tpu.memory_space<vmem_shared>>
      %dma_start3A_39 = tpu.memref_slice %arg13[%mul3A_8] : memref<100352xf32, #tpu.memory_space<vmem_shared>> -> memref<6272xf32, #tpu.memory_space<vmem_shared>>
      %dma_start3A_40 = arith.constant 0 : i32
      %dma_start3A_41 = tpu.memref_slice %arg11[%dma_start3A_40] : memref<10000xf32, #tpu.memory_space<vmem>> -> memref<6272xf32, #tpu.memory_space<vmem>>
      tpu.enqueue_dma source(%dma_start3A_41 : memref<6272xf32, #tpu.memory_space<vmem>>) target(%dma_start3A_39 : memref<6272xf32, #tpu.memory_space<vmem_shared>>) target_semaphore(%run_scoped3A : memref<!tpu.dma_semaphore, #tpu.memory_space<semaphore_mem>>)
      %dma_wait3A = arith.constant 0 : i32
      %dma_wait3A_42 = tpu.memref_slice %arg11[%dma_wait3A] : memref<10000xf32, #tpu.memory_space<vmem>> -> memref<6272xf32, #tpu.memory_space<vmem>>
      %dma_wait3A_43 = tpu.memref_slice %arg13[%mul3A_8] : memref<100352xf32, #tpu.memory_space<vmem_shared>> -> memref<6272xf32, #tpu.memory_space<vmem_shared>>
      %dma_wait3A_44 = tpu.memref_slice %arg13[%mul3A_8] : memref<100352xf32, #tpu.memory_space<vmem_shared>> -> memref<6272xf32, #tpu.memory_space<vmem_shared>>
      %dma_wait3A_45 = arith.constant 0 : i32
      %dma_wait3A_46 = tpu.memref_slice %arg11[%dma_wait3A_45] : memref<10000xf32, #tpu.memory_space<vmem>> -> memref<6272xf32, #tpu.memory_space<vmem>>
      tpu.wait_dma2 semaphore(%run_scoped3A : memref<!tpu.dma_semaphore, #tpu.memory_space<semaphore_mem>>) src(%dma_wait3A_46 : memref<6272xf32, #tpu.memory_space<vmem>>) dst(%dma_wait3A_44 : memref<6272xf32, #tpu.memory_space<vmem_shared>>)
      tpu.yield
    }) : () -> ()
    %scan3A_9 = arith.constant 0 : i32
    %scan3A_10 = arith.constant 0 : i32
    %scan3A_11 = arith.constant 10 : i32
    %scan3A_12 = arith.addi %scan3A_10, %scan3A_11 : i32
    %scan3A_13 = arith.constant 1 : i32
    %scan3A_14 = scf.for %scan3A_37 = %scan3A_10 to %scan3A_12 step %scan3A_13 iter_args(%scan3A_38 = %scan3A_9) -> (i32)  : i32 {
      %mul3A_39 = arith.constant 100000 : i32
      %mul3A_40 = arith.muli %arg1, %mul3A_39 : i32
      %mul3A_41 = arith.constant 10000 : i32
      %mul3A_42 = arith.muli %scan3A_37, %mul3A_41 : i32
      %add3A_43 = arith.addi %mul3A_40, %mul3A_42 : i32
      "tpu.region"() ({
        %run_scoped3A = tpu.sem_alloc : memref<!tpu.dma_semaphore, #tpu.memory_space<semaphore_mem>>
        %dma_start3A = tpu.memref_slice %arg5[%add3A_43] : memref<1600000xf32, #tpu.memory_space<hbm>> -> memref<10000xf32, #tpu.memory_space<hbm>>
        %dma_start3A_45 = tpu.memref_slice %arg5[%add3A_43] : memref<1600000xf32, #tpu.memory_space<hbm>> -> memref<10000xf32, #tpu.memory_space<hbm>>
        tpu.enqueue_dma source(%dma_start3A_45 : memref<10000xf32, #tpu.memory_space<hbm>>) target(%arg11 : memref<10000xf32, #tpu.memory_space<vmem>>) target_semaphore(%run_scoped3A : memref<!tpu.dma_semaphore, #tpu.memory_space<semaphore_mem>>)
        %dma_wait3A = tpu.memref_slice %arg5[%add3A_43] : memref<1600000xf32, #tpu.memory_space<hbm>> -> memref<10000xf32, #tpu.memory_space<hbm>>
        %dma_wait3A_46 = tpu.memref_slice %arg5[%add3A_43] : memref<1600000xf32, #tpu.memory_space<hbm>> -> memref<10000xf32, #tpu.memory_space<hbm>>
        tpu.wait_dma2 semaphore(%run_scoped3A : memref<!tpu.dma_semaphore, #tpu.memory_space<semaphore_mem>>) src(%dma_wait3A_46 : memref<10000xf32, #tpu.memory_space<hbm>>) dst(%arg11 : memref<10000xf32, #tpu.memory_space<vmem>>)
        tpu.yield
      }) : () -> ()
      "tpu.region"() ({
        %run_scoped3A = tpu.sem_alloc : memref<!tpu.dma_semaphore, #tpu.memory_space<semaphore_mem>>
        %dma_start3A = tpu.memref_slice %arg12[%add3A_43] : memref<1600000xf32, #tpu.memory_space<vmem_shared>> -> memref<10000xf32, #tpu.memory_space<vmem_shared>>
        %dma_start3A_45 = tpu.memref_slice %arg12[%add3A_43] : memref<1600000xf32, #tpu.memory_space<vmem_shared>> -> memref<10000xf32, #tpu.memory_space<vmem_shared>>
        tpu.enqueue_dma source(%arg11 : memref<10000xf32, #tpu.memory_space<vmem>>) target(%dma_start3A_45 : memref<10000xf32, #tpu.memory_space<vmem_shared>>) target_semaphore(%run_scoped3A : memref<!tpu.dma_semaphore, #tpu.memory_space<semaphore_mem>>)
        %dma_wait3A = tpu.memref_slice %arg12[%add3A_43] : memref<1600000xf32, #tpu.memory_space<vmem_shared>> -> memref<10000xf32, #tpu.memory_space<vmem_shared>>
        %dma_wait3A_46 = tpu.memref_slice %arg12[%add3A_43] : memref<1600000xf32, #tpu.memory_space<vmem_shared>> -> memref<10000xf32, #tpu.memory_space<vmem_shared>>
        tpu.wait_dma2 semaphore(%run_scoped3A : memref<!tpu.dma_semaphore, #tpu.memory_space<semaphore_mem>>) src(%arg11 : memref<10000xf32, #tpu.memory_space<vmem>>) dst(%dma_wait3A_46 : memref<10000xf32, #tpu.memory_space<vmem_shared>>)
        tpu.yield
      }) : () -> ()
      %scan3A_44 = arith.constant 0 : i32
      scf.yield %scan3A_44 : i32
    }
    %scan3A_15 = arith.constant 10 : i32
    %barrier3A = arith.constant 0 : index
    tpu.barrier barrier_id(%barrier3A)
    %mul3A_16 = arith.constant 1562 : i32
    %mul3A_17 = arith.muli %add3A, %mul3A_16 : i32
    %min3A = arith.constant 16 : i32
    %min3A_18 = arith.minsi %add3A, %min3A : i32
    %add3A_19 = arith.addi %mul3A_17, %min3A_18 : i32
    %scan3A_20 = arith.constant 0 : i32
    %scan3A_21 = arith.constant 0 : i32
    %scan3A_22 = arith.constant 71 : i32
    %scan3A_23 = arith.addi %scan3A_21, %scan3A_22 : i32
    %scan3A_24 = arith.constant 1 : i32
    %scan3A_25 = scf.for %scan3A_37 = %scan3A_21 to %scan3A_23 step %scan3A_24 iter_args(%scan3A_38 = %scan3A_20) -> (i32)  : i32 {
      %mul3A_39 = arith.constant 22 : i32
      %mul3A_40 = arith.muli %scan3A_37, %mul3A_39 : i32
      %add3A_41 = arith.addi %add3A_19, %mul3A_40 : i32
      %mul3A_42 = arith.constant 128 : i32
      %mul3A_43 = arith.muli %add3A_41, %mul3A_42 : i32
      "tpu.region"() ({
        %run_scoped3A = tpu.sem_alloc : memref<!tpu.dma_semaphore, #tpu.memory_space<semaphore_mem>>
        %dma_start3A = arith.constant 0 : i32
        %dma_start3A_70 = tpu.memref_slice %arg7[%dma_start3A] : memref<2816xi32, #tpu.memory_space<vmem>> -> memref<2816xi32, #tpu.memory_space<vmem>>
        %dma_start3A_71 = tpu.memref_slice %arg3[%mul3A_43] : memref<6400000xi32, #tpu.memory_space<hbm>> -> memref<2816xi32, #tpu.memory_space<hbm>>
        %dma_start3A_72 = arith.constant 0 : i32
        %dma_start3A_73 = tpu.memref_slice %arg7[%dma_start3A_72] : memref<2816xi32, #tpu.memory_space<vmem>> -> memref<2816xi32, #tpu.memory_space<vmem>>
        %dma_start3A_74 = tpu.memref_slice %arg3[%mul3A_43] : memref<6400000xi32, #tpu.memory_space<hbm>> -> memref<2816xi32, #tpu.memory_space<hbm>>
        tpu.enqueue_dma source(%dma_start3A_74 : memref<2816xi32, #tpu.memory_space<hbm>>) target(%dma_start3A_73 : memref<2816xi32, #tpu.memory_space<vmem>>) target_semaphore(%run_scoped3A : memref<!tpu.dma_semaphore, #tpu.memory_space<semaphore_mem>>)
        %dma_wait3A = arith.constant 0 : i32
        %dma_wait3A_75 = tpu.memref_slice %arg7[%dma_wait3A] : memref<2816xi32, #tpu.memory_space<vmem>> -> memref<2816xi32, #tpu.memory_space<vmem>>
        %dma_wait3A_76 = tpu.memref_slice %arg3[%mul3A_43] : memref<6400000xi32, #tpu.memory_space<hbm>> -> memref<2816xi32, #tpu.memory_space<hbm>>
        %dma_wait3A_77 = arith.constant 0 : i32
        %dma_wait3A_78 = tpu.memref_slice %arg7[%dma_wait3A_77] : memref<2816xi32, #tpu.memory_space<vmem>> -> memref<2816xi32, #tpu.memory_space<vmem>>
        %dma_wait3A_79 = tpu.memref_slice %arg3[%mul3A_43] : memref<6400000xi32, #tpu.memory_space<hbm>> -> memref<2816xi32, #tpu.memory_space<hbm>>
        tpu.wait_dma2 semaphore(%run_scoped3A : memref<!tpu.dma_semaphore, #tpu.memory_space<semaphore_mem>>) src(%dma_wait3A_79 : memref<2816xi32, #tpu.memory_space<hbm>>) dst(%dma_wait3A_78 : memref<2816xi32, #tpu.memory_space<vmem>>)
        tpu.yield
      }) : () -> ()
      %mul3A_44 = arith.constant 128 : i32
      %mul3A_45 = arith.muli %add3A_41, %mul3A_44 : i32
      "tpu.region"() ({
        %run_scoped3A = tpu.sem_alloc : memref<!tpu.dma_semaphore, #tpu.memory_space<semaphore_mem>>
        %dma_start3A = arith.constant 0 : i32
        %dma_start3A_70 = tpu.memref_slice %arg8[%dma_start3A] : memref<2816xi32, #tpu.memory_space<vmem>> -> memref<2816xi32, #tpu.memory_space<vmem>>
        %dma_start3A_71 = tpu.memref_slice %arg4[%mul3A_45] : memref<6400000xi32, #tpu.memory_space<hbm>> -> memref<2816xi32, #tpu.memory_space<hbm>>
        %dma_start3A_72 = arith.constant 0 : i32
        %dma_start3A_73 = tpu.memref_slice %arg8[%dma_start3A_72] : memref<2816xi32, #tpu.memory_space<vmem>> -> memref<2816xi32, #tpu.memory_space<vmem>>
        %dma_start3A_74 = tpu.memref_slice %arg4[%mul3A_45] : memref<6400000xi32, #tpu.memory_space<hbm>> -> memref<2816xi32, #tpu.memory_space<hbm>>
        tpu.enqueue_dma source(%dma_start3A_74 : memref<2816xi32, #tpu.memory_space<hbm>>) target(%dma_start3A_73 : memref<2816xi32, #tpu.memory_space<vmem>>) target_semaphore(%run_scoped3A : memref<!tpu.dma_semaphore, #tpu.memory_space<semaphore_mem>>)
        %dma_wait3A = arith.constant 0 : i32
        %dma_wait3A_75 = tpu.memref_slice %arg8[%dma_wait3A] : memref<2816xi32, #tpu.memory_space<vmem>> -> memref<2816xi32, #tpu.memory_space<vmem>>
        %dma_wait3A_76 = tpu.memref_slice %arg4[%mul3A_45] : memref<6400000xi32, #tpu.memory_space<hbm>> -> memref<2816xi32, #tpu.memory_space<hbm>>
        %dma_wait3A_77 = arith.constant 0 : i32
        %dma_wait3A_78 = tpu.memref_slice %arg8[%dma_wait3A_77] : memref<2816xi32, #tpu.memory_space<vmem>> -> memref<2816xi32, #tpu.memory_space<vmem>>
        %dma_wait3A_79 = tpu.memref_slice %arg4[%mul3A_45] : memref<6400000xi32, #tpu.memory_space<hbm>> -> memref<2816xi32, #tpu.memory_space<hbm>>
        tpu.wait_dma2 semaphore(%run_scoped3A : memref<!tpu.dma_semaphore, #tpu.memory_space<semaphore_mem>>) src(%dma_wait3A_79 : memref<2816xi32, #tpu.memory_space<hbm>>) dst(%dma_wait3A_78 : memref<2816xi32, #tpu.memory_space<vmem>>)
        tpu.yield
      }) : () -> ()
      %mul3A_46 = arith.constant 128 : i32
      %mul3A_47 = arith.muli %add3A_41, %mul3A_46 : i32
      "tpu.region"() ({
        %run_scoped3A = tpu.sem_alloc : memref<!tpu.dma_semaphore, #tpu.memory_space<semaphore_mem>>
        %dma_start3A = arith.constant 0 : i32
        %dma_start3A_70 = tpu.memref_slice %arg9[%dma_start3A] : memref<2816xf32, #tpu.memory_space<vmem>> -> memref<2816xf32, #tpu.memory_space<vmem>>
        %dma_start3A_71 = tpu.memref_slice %arg2[%mul3A_47] : memref<6400000xf32, #tpu.memory_space<hbm>> -> memref<2816xf32, #tpu.memory_space<hbm>>
        %dma_start3A_72 = arith.constant 0 : i32
        %dma_start3A_73 = tpu.memref_slice %arg9[%dma_start3A_72] : memref<2816xf32, #tpu.memory_space<vmem>> -> memref<2816xf32, #tpu.memory_space<vmem>>
        %dma_start3A_74 = tpu.memref_slice %arg2[%mul3A_47] : memref<6400000xf32, #tpu.memory_space<hbm>> -> memref<2816xf32, #tpu.memory_space<hbm>>
        tpu.enqueue_dma source(%dma_start3A_74 : memref<2816xf32, #tpu.memory_space<hbm>>) target(%dma_start3A_73 : memref<2816xf32, #tpu.memory_space<vmem>>) target_semaphore(%run_scoped3A : memref<!tpu.dma_semaphore, #tpu.memory_space<semaphore_mem>>)
        %dma_wait3A = arith.constant 0 : i32
        %dma_wait3A_75 = tpu.memref_slice %arg9[%dma_wait3A] : memref<2816xf32, #tpu.memory_space<vmem>> -> memref<2816xf32, #tpu.memory_space<vmem>>
        %dma_wait3A_76 = tpu.memref_slice %arg2[%mul3A_47] : memref<6400000xf32, #tpu.memory_space<hbm>> -> memref<2816xf32, #tpu.memory_space<hbm>>
        %dma_wait3A_77 = arith.constant 0 : i32
        %dma_wait3A_78 = tpu.memref_slice %arg9[%dma_wait3A_77] : memref<2816xf32, #tpu.memory_space<vmem>> -> memref<2816xf32, #tpu.memory_space<vmem>>
        %dma_wait3A_79 = tpu.memref_slice %arg2[%mul3A_47] : memref<6400000xf32, #tpu.memory_space<hbm>> -> memref<2816xf32, #tpu.memory_space<hbm>>
        tpu.wait_dma2 semaphore(%run_scoped3A : memref<!tpu.dma_semaphore, #tpu.memory_space<semaphore_mem>>) src(%dma_wait3A_79 : memref<2816xf32, #tpu.memory_space<hbm>>) dst(%dma_wait3A_78 : memref<2816xf32, #tpu.memory_space<vmem>>)
        tpu.yield
      }) : () -> ()
      %scan3A_48 = arith.constant 0 : i32
      %scan3A_49 = arith.constant 0 : i32
      %scan3A_50 = arith.constant 22 : i32
      %scan3A_51 = arith.addi %scan3A_49, %scan3A_50 : i32
      %scan3A_52 = arith.constant 1 : i32
      %scan3A_53 = scf.for %scan3A_70 = %scan3A_49 to %scan3A_51 step %scan3A_52 iter_args(%scan3A_71 = %scan3A_48) -> (i32)  : i32 {
        %mul3A_72 = arith.constant 128 : i32
        %mul3A_73 = arith.muli %scan3A_70, %mul3A_72 : i32
        %mul3A_74 = arith.constant 128 : i32
        %mul3A_75 = arith.muli %scan3A_70, %mul3A_74 : i32
        "tpu.region"() ({
          %run_scoped3A = tpu.sem_alloc : memref<!tpu.dma_semaphore, #tpu.memory_space<semaphore_mem>>
          %dma_start3A = tpu.memref_slice %arg10[%mul3A_75] : memref<2816xf32, #tpu.memory_space<vmem>> -> memref<128xf32, #tpu.memory_space<vmem>>
          %dma_start3A_77 = tpu.memref_slice %arg8[%mul3A_73] : memref<2816xi32, #tpu.memory_space<vmem>> -> memref<128xi32, #tpu.memory_space<vmem>>
          %dma_start3A_78 = arith.constant 0 : i32
          %dma_start3A_79 = tpu.memref_slice %arg12[%dma_start3A_78] : memref<1600000xf32, #tpu.memory_space<vmem_shared>> -> memref<1600000xf32, #tpu.memory_space<vmem_shared>>
          tpu.enqueue_indirect_dma source(%dma_start3A_79 : memref<1600000xf32, #tpu.memory_space<vmem_shared>>) target(%dma_start3A : memref<128xf32, #tpu.memory_space<vmem>>) offsets(%dma_start3A_77 : memref<128xi32, #tpu.memory_space<vmem>>) semaphore(%run_scoped3A : memref<!tpu.dma_semaphore, #tpu.memory_space<semaphore_mem>>)
          %dma_wait3A = tpu.memref_slice %arg10[%mul3A_75] : memref<2816xf32, #tpu.memory_space<vmem>> -> memref<128xf32, #tpu.memory_space<vmem>>
          %dma_wait3A_80 = tpu.memref_slice %arg8[%mul3A_73] : memref<2816xi32, #tpu.memory_space<vmem>> -> memref<128xi32, #tpu.memory_space<vmem>>
          %dma_wait3A_81 = arith.constant 0 : i32
          %dma_wait3A_82 = tpu.memref_slice %arg12[%dma_wait3A_81] : memref<1600000xf32, #tpu.memory_space<vmem_shared>> -> memref<1600000xf32, #tpu.memory_space<vmem_shared>>
          tpu.wait_indirect_dma semaphore(%run_scoped3A : memref<!tpu.dma_semaphore, #tpu.memory_space<semaphore_mem>>) src(%dma_wait3A_82 : memref<1600000xf32, #tpu.memory_space<vmem_shared>>) dst(%dma_wait3A : memref<128xf32, #tpu.memory_space<vmem>>)
          tpu.yield
        }) : () -> ()
        %scan3A_76 = arith.constant 0 : i32
        scf.yield %scan3A_76 : i32
      }
      %scan3A_54 = arith.constant 22 : i32
      %scan3A_55 = arith.constant 0 : i32
      %scan3A_56 = arith.constant 0 : i32
      %scan3A_57 = arith.constant 176 : i32
      %scan3A_58 = arith.addi %scan3A_56, %scan3A_57 : i32
      %scan3A_59 = arith.constant 1 : i32
      %scan3A_60 = scf.for %scan3A_70 = %scan3A_56 to %scan3A_58 step %scan3A_59 iter_args(%scan3A_71 = %scan3A_55) -> (i32)  : i32 {
        %mul3A_72 = arith.constant 16 : i32
        %mul3A_73 = arith.muli %scan3A_70, %mul3A_72 : i32
        %get3A = arith.index_cast %mul3A_73 : i32 to index
        %get3A_74 = tpu.vector_load %arg9[%get3A] {strides = array<i32>} : memref<2816xf32, #tpu.memory_space<vmem>>, vector<16xf32>,
        %get3A_75 = vector.shape_cast %get3A_74 : vector<16xf32> to vector<16xf32>
        %mul3A_76 = arith.constant 16 : i32
        %mul3A_77 = arith.muli %scan3A_70, %mul3A_76 : i32
        %get3A_78 = arith.index_cast %mul3A_77 : i32 to index
        %get3A_79 = tpu.vector_load %arg10[%get3A_78] {strides = array<i32>} : memref<2816xf32, #tpu.memory_space<vmem>>, vector<16xf32>,
        %get3A_80 = vector.shape_cast %get3A_79 : vector<16xf32> to vector<16xf32>
        %mul3A_81 = arith.mulf %get3A_75, %get3A_80 : vector<16xf32>
        %mul3A_82 = arith.constant 16 : i32
        %mul3A_83 = arith.muli %scan3A_70, %mul3A_82 : i32
        %swap3A = arith.index_cast %mul3A_83 : i32 to index
        %swap3A_84 = tpu.vector_load %arg9[%swap3A] {strides = array<i32>} : memref<2816xf32, #tpu.memory_space<vmem>>, vector<16xf32>,
        %swap3A_85 = vector.shape_cast %swap3A_84 : vector<16xf32> to vector<16xf32>
        %swap3A_86 = vector.shape_cast %mul3A_81 : vector<16xf32> to vector<16xf32>
        tpu.vector_store %arg9[%swap3A], %swap3A_86 {strides = array<i32>} : memref<2816xf32, #tpu.memory_space<vmem>>, vector<16xf32>,
        %scan3A_87 = arith.constant 0 : i32
        scf.yield %scan3A_87 : i32
      }
      %scan3A_61 = arith.constant 176 : i32
      %scan3A_62 = arith.constant 0 : i32
      %scan3A_63 = arith.constant 0 : i32
      %scan3A_64 = arith.constant 22 : i32
      %scan3A_65 = arith.addi %scan3A_63, %scan3A_64 : i32
      %scan3A_66 = arith.constant 1 : i32
      %scan3A_67 = scf.for %scan3A_70 = %scan3A_63 to %scan3A_65 step %scan3A_66 iter_args(%scan3A_71 = %scan3A_62) -> (i32)  : i32 {
        %mul3A_72 = arith.constant 128 : i32
        %mul3A_73 = arith.muli %scan3A_70, %mul3A_72 : i32
        %mul3A_74 = arith.constant 128 : i32
        %mul3A_75 = arith.muli %scan3A_70, %mul3A_74 : i32
        "tpu.region"() ({
          %run_scoped3A = tpu.sem_alloc : memref<!tpu.dma_semaphore, #tpu.memory_space<semaphore_mem>>
          %dma_start3A = tpu.memref_slice %arg9[%mul3A_73] : memref<2816xf32, #tpu.memory_space<vmem>> -> memref<128xf32, #tpu.memory_space<vmem>>
          %dma_start3A_77 = tpu.memref_slice %arg7[%mul3A_75] : memref<2816xi32, #tpu.memory_space<vmem>> -> memref<128xi32, #tpu.memory_space<vmem>>
          %dma_start3A_78 = arith.constant 0 : i32
          %dma_start3A_79 = tpu.memref_slice %arg13[%dma_start3A_78] : memref<100352xf32, #tpu.memory_space<vmem_shared>> -> memref<100352xf32, #tpu.memory_space<vmem_shared>>
          tpu.enqueue_indirect_dma source(%dma_start3A : memref<128xf32, #tpu.memory_space<vmem>>) target(%dma_start3A_79 : memref<100352xf32, #tpu.memory_space<vmem_shared>>) offsets(%dma_start3A_77 : memref<128xi32, #tpu.memory_space<vmem>>) semaphore(%run_scoped3A : memref<!tpu.dma_semaphore, #tpu.memory_space<semaphore_mem>>) {add = true}
          %dma_wait3A = tpu.memref_slice %arg9[%mul3A_73] : memref<2816xf32, #tpu.memory_space<vmem>> -> memref<128xf32, #tpu.memory_space<vmem>>
          %dma_wait3A_80 = tpu.memref_slice %arg7[%mul3A_75] : memref<2816xi32, #tpu.memory_space<vmem>> -> memref<128xi32, #tpu.memory_space<vmem>>
          %dma_wait3A_81 = arith.constant 0 : i32
          %dma_wait3A_82 = tpu.memref_slice %arg13[%dma_wait3A_81] : memref<100352xf32, #tpu.memory_space<vmem_shared>> -> memref<100352xf32, #tpu.memory_space<vmem_shared>>
          tpu.wait_indirect_dma semaphore(%run_scoped3A : memref<!tpu.dma_semaphore, #tpu.memory_space<semaphore_mem>>) src(%dma_wait3A : memref<128xf32, #tpu.memory_space<vmem>>) dst(%dma_wait3A_82 : memref<100352xf32, #tpu.memory_space<vmem_shared>>)
          tpu.yield
        }) : () -> ()
        %scan3A_76 = arith.constant 0 : i32
        scf.yield %scan3A_76 : i32
      }
      %scan3A_68 = arith.constant 22 : i32
      %scan3A_69 = arith.constant 0 : i32
      scf.yield %scan3A_69 : i32
    }
    %scan3A_26 = arith.constant 71 : i32
    %lt3A = arith.constant 16 : i32
    %lt3A_27 = arith.cmpi slt, %add3A, %lt3A : i32
    %convert_element_type3A = arith.extui %lt3A_27 : i1 to i32
    %cond3A = arith.constant 0 : i32
    %cond3A_28 = arith.cmpi ne, %convert_element_type3A, %cond3A : i32
    scf.if %cond3A_28 {
      %add3A_37 = arith.constant 1562 : i32
      %add3A_38 = arith.addi %add3A_19, %add3A_37 : i32
      %mul3A_39 = arith.constant 128 : i32
      %mul3A_40 = arith.muli %add3A_38, %mul3A_39 : i32
      "tpu.region"() ({
        %run_scoped3A = tpu.sem_alloc : memref<!tpu.dma_semaphore, #tpu.memory_space<semaphore_mem>>
        %dma_start3A = arith.constant 0 : i32
        %dma_start3A_68 = tpu.memref_slice %arg7[%dma_start3A] : memref<2816xi32, #tpu.memory_space<vmem>> -> memref<128xi32, #tpu.memory_space<vmem>>
        %dma_start3A_69 = tpu.memref_slice %arg3[%mul3A_40] : memref<6400000xi32, #tpu.memory_space<hbm>> -> memref<128xi32, #tpu.memory_space<hbm>>
        %dma_start3A_70 = arith.constant 0 : i32
        %dma_start3A_71 = tpu.memref_slice %arg7[%dma_start3A_70] : memref<2816xi32, #tpu.memory_space<vmem>> -> memref<128xi32, #tpu.memory_space<vmem>>
        %dma_start3A_72 = tpu.memref_slice %arg3[%mul3A_40] : memref<6400000xi32, #tpu.memory_space<hbm>> -> memref<128xi32, #tpu.memory_space<hbm>>
        tpu.enqueue_dma source(%dma_start3A_72 : memref<128xi32, #tpu.memory_space<hbm>>) target(%dma_start3A_71 : memref<128xi32, #tpu.memory_space<vmem>>) target_semaphore(%run_scoped3A : memref<!tpu.dma_semaphore, #tpu.memory_space<semaphore_mem>>)
        %dma_wait3A = arith.constant 0 : i32
        %dma_wait3A_73 = tpu.memref_slice %arg7[%dma_wait3A] : memref<2816xi32, #tpu.memory_space<vmem>> -> memref<128xi32, #tpu.memory_space<vmem>>
        %dma_wait3A_74 = tpu.memref_slice %arg3[%mul3A_40] : memref<6400000xi32, #tpu.memory_space<hbm>> -> memref<128xi32, #tpu.memory_space<hbm>>
        %dma_wait3A_75 = arith.constant 0 : i32
        %dma_wait3A_76 = tpu.memref_slice %arg7[%dma_wait3A_75] : memref<2816xi32, #tpu.memory_space<vmem>> -> memref<128xi32, #tpu.memory_space<vmem>>
        %dma_wait3A_77 = tpu.memref_slice %arg3[%mul3A_40] : memref<6400000xi32, #tpu.memory_space<hbm>> -> memref<128xi32, #tpu.memory_space<hbm>>
        tpu.wait_dma2 semaphore(%run_scoped3A : memref<!tpu.dma_semaphore, #tpu.memory_space<semaphore_mem>>) src(%dma_wait3A_77 : memref<128xi32, #tpu.memory_space<hbm>>) dst(%dma_wait3A_76 : memref<128xi32, #tpu.memory_space<vmem>>)
        tpu.yield
      }) : () -> ()
      %mul3A_41 = arith.constant 128 : i32
      %mul3A_42 = arith.muli %add3A_38, %mul3A_41 : i32
      "tpu.region"() ({
        %run_scoped3A = tpu.sem_alloc : memref<!tpu.dma_semaphore, #tpu.memory_space<semaphore_mem>>
        %dma_start3A = arith.constant 0 : i32
        %dma_start3A_68 = tpu.memref_slice %arg8[%dma_start3A] : memref<2816xi32, #tpu.memory_space<vmem>> -> memref<128xi32, #tpu.memory_space<vmem>>
        %dma_start3A_69 = tpu.memref_slice %arg4[%mul3A_42] : memref<6400000xi32, #tpu.memory_space<hbm>> -> memref<128xi32, #tpu.memory_space<hbm>>
        %dma_start3A_70 = arith.constant 0 : i32
        %dma_start3A_71 = tpu.memref_slice %arg8[%dma_start3A_70] : memref<2816xi32, #tpu.memory_space<vmem>> -> memref<128xi32, #tpu.memory_space<vmem>>
        %dma_start3A_72 = tpu.memref_slice %arg4[%mul3A_42] : memref<6400000xi32, #tpu.memory_space<hbm>> -> memref<128xi32, #tpu.memory_space<hbm>>
        tpu.enqueue_dma source(%dma_start3A_72 : memref<128xi32, #tpu.memory_space<hbm>>) target(%dma_start3A_71 : memref<128xi32, #tpu.memory_space<vmem>>) target_semaphore(%run_scoped3A : memref<!tpu.dma_semaphore, #tpu.memory_space<semaphore_mem>>)
        %dma_wait3A = arith.constant 0 : i32
        %dma_wait3A_73 = tpu.memref_slice %arg8[%dma_wait3A] : memref<2816xi32, #tpu.memory_space<vmem>> -> memref<128xi32, #tpu.memory_space<vmem>>
        %dma_wait3A_74 = tpu.memref_slice %arg4[%mul3A_42] : memref<6400000xi32, #tpu.memory_space<hbm>> -> memref<128xi32, #tpu.memory_space<hbm>>
        %dma_wait3A_75 = arith.constant 0 : i32
        %dma_wait3A_76 = tpu.memref_slice %arg8[%dma_wait3A_75] : memref<2816xi32, #tpu.memory_space<vmem>> -> memref<128xi32, #tpu.memory_space<vmem>>
        %dma_wait3A_77 = tpu.memref_slice %arg4[%mul3A_42] : memref<6400000xi32, #tpu.memory_space<hbm>> -> memref<128xi32, #tpu.memory_space<hbm>>
        tpu.wait_dma2 semaphore(%run_scoped3A : memref<!tpu.dma_semaphore, #tpu.memory_space<semaphore_mem>>) src(%dma_wait3A_77 : memref<128xi32, #tpu.memory_space<hbm>>) dst(%dma_wait3A_76 : memref<128xi32, #tpu.memory_space<vmem>>)
        tpu.yield
      }) : () -> ()
      %mul3A_43 = arith.constant 128 : i32
      %mul3A_44 = arith.muli %add3A_38, %mul3A_43 : i32
      "tpu.region"() ({
        %run_scoped3A = tpu.sem_alloc : memref<!tpu.dma_semaphore, #tpu.memory_space<semaphore_mem>>
        %dma_start3A = arith.constant 0 : i32
        %dma_start3A_68 = tpu.memref_slice %arg9[%dma_start3A] : memref<2816xf32, #tpu.memory_space<vmem>> -> memref<128xf32, #tpu.memory_space<vmem>>
        %dma_start3A_69 = tpu.memref_slice %arg2[%mul3A_44] : memref<6400000xf32, #tpu.memory_space<hbm>> -> memref<128xf32, #tpu.memory_space<hbm>>
        %dma_start3A_70 = arith.constant 0 : i32
        %dma_start3A_71 = tpu.memref_slice %arg9[%dma_start3A_70] : memref<2816xf32, #tpu.memory_space<vmem>> -> memref<128xf32, #tpu.memory_space<vmem>>
        %dma_start3A_72 = tpu.memref_slice %arg2[%mul3A_44] : memref<6400000xf32, #tpu.memory_space<hbm>> -> memref<128xf32, #tpu.memory_space<hbm>>
        tpu.enqueue_dma source(%dma_start3A_72 : memref<128xf32, #tpu.memory_space<hbm>>) target(%dma_start3A_71 : memref<128xf32, #tpu.memory_space<vmem>>) target_semaphore(%run_scoped3A : memref<!tpu.dma_semaphore, #tpu.memory_space<semaphore_mem>>)
        %dma_wait3A = arith.constant 0 : i32
        %dma_wait3A_73 = tpu.memref_slice %arg9[%dma_wait3A] : memref<2816xf32, #tpu.memory_space<vmem>> -> memref<128xf32, #tpu.memory_space<vmem>>
        %dma_wait3A_74 = tpu.memref_slice %arg2[%mul3A_44] : memref<6400000xf32, #tpu.memory_space<hbm>> -> memref<128xf32, #tpu.memory_space<hbm>>
        %dma_wait3A_75 = arith.constant 0 : i32
        %dma_wait3A_76 = tpu.memref_slice %arg9[%dma_wait3A_75] : memref<2816xf32, #tpu.memory_space<vmem>> -> memref<128xf32, #tpu.memory_space<vmem>>
        %dma_wait3A_77 = tpu.memref_slice %arg2[%mul3A_44] : memref<6400000xf32, #tpu.memory_space<hbm>> -> memref<128xf32, #tpu.memory_space<hbm>>
        tpu.wait_dma2 semaphore(%run_scoped3A : memref<!tpu.dma_semaphore, #tpu.memory_space<semaphore_mem>>) src(%dma_wait3A_77 : memref<128xf32, #tpu.memory_space<hbm>>) dst(%dma_wait3A_76 : memref<128xf32, #tpu.memory_space<vmem>>)
        tpu.yield
      }) : () -> ()
      %scan3A_45 = arith.constant 0 : i32
      %scan3A_46 = arith.constant 0 : i32
      %mul3A_47 = arith.constant 128 : i32
      %mul3A_48 = arith.muli %scan3A_46, %mul3A_47 : i32
      %mul3A_49 = arith.constant 128 : i32
      %mul3A_50 = arith.muli %scan3A_46, %mul3A_49 : i32
      "tpu.region"() ({
        %run_scoped3A = tpu.sem_alloc : memref<!tpu.dma_semaphore, #tpu.memory_space<semaphore_mem>>
        %dma_start3A = tpu.memref_slice %arg10[%mul3A_50] : memref<2816xf32, #tpu.memory_space<vmem>> -> memref<128xf32, #tpu.memory_space<vmem>>
        %dma_start3A_68 = tpu.memref_slice %arg8[%mul3A_48] : memref<2816xi32, #tpu.memory_space<vmem>> -> memref<128xi32, #tpu.memory_space<vmem>>
        %dma_start3A_69 = arith.constant 0 : i32
        %dma_start3A_70 = tpu.memref_slice %arg12[%dma_start3A_69] : memref<1600000xf32, #tpu.memory_space<vmem_shared>> -> memref<1600000xf32, #tpu.memory_space<vmem_shared>>
        tpu.enqueue_indirect_dma source(%dma_start3A_70 : memref<1600000xf32, #tpu.memory_space<vmem_shared>>) target(%dma_start3A : memref<128xf32, #tpu.memory_space<vmem>>) offsets(%dma_start3A_68 : memref<128xi32, #tpu.memory_space<vmem>>) semaphore(%run_scoped3A : memref<!tpu.dma_semaphore, #tpu.memory_space<semaphore_mem>>)
        %dma_wait3A = tpu.memref_slice %arg10[%mul3A_50] : memref<2816xf32, #tpu.memory_space<vmem>> -> memref<128xf32, #tpu.memory_space<vmem>>
        %dma_wait3A_71 = tpu.memref_slice %arg8[%mul3A_48] : memref<2816xi32, #tpu.memory_space<vmem>> -> memref<128xi32, #tpu.memory_space<vmem>>
        %dma_wait3A_72 = arith.constant 0 : i32
        %dma_wait3A_73 = tpu.memref_slice %arg12[%dma_wait3A_72] : memref<1600000xf32, #tpu.memory_space<vmem_shared>> -> memref<1600000xf32, #tpu.memory_space<vmem_shared>>
        tpu.wait_indirect_dma semaphore(%run_scoped3A : memref<!tpu.dma_semaphore, #tpu.memory_space<semaphore_mem>>) src(%dma_wait3A_73 : memref<1600000xf32, #tpu.memory_space<vmem_shared>>) dst(%dma_wait3A : memref<128xf32, #tpu.memory_space<vmem>>)
        tpu.yield
      }) : () -> ()
      %scan3A_51 = arith.constant 0 : i32
      %scan3A_52 = arith.constant 1 : i32
      %scan3A_53 = arith.constant 0 : i32
      %scan3A_54 = arith.constant 0 : i32
      %scan3A_55 = arith.constant 8 : i32
      %scan3A_56 = arith.addi %scan3A_54, %scan3A_55 : i32
      %scan3A_57 = arith.constant 1 : i32
      %scan3A_58 = scf.for %scan3A_68 = %scan3A_54 to %scan3A_56 step %scan3A_57 iter_args(%scan3A_69 = %scan3A_53) -> (i32)  : i32 {
        %mul3A_70 = arith.constant 16 : i32
        %mul3A_71 = arith.muli %scan3A_68, %mul3A_70 : i32
        %get3A = arith.index_cast %mul3A_71 : i32 to index
        %get3A_72 = tpu.vector_load %arg9[%get3A] {strides = array<i32>} : memref<2816xf32, #tpu.memory_space<vmem>>, vector<16xf32>,
        %get3A_73 = vector.shape_cast %get3A_72 : vector<16xf32> to vector<16xf32>
        %mul3A_74 = arith.constant 16 : i32
        %mul3A_75 = arith.muli %scan3A_68, %mul3A_74 : i32
        %get3A_76 = arith.index_cast %mul3A_75 : i32 to index
        %get3A_77 = tpu.vector_load %arg10[%get3A_76] {strides = array<i32>} : memref<2816xf32, #tpu.memory_space<vmem>>, vector<16xf32>,
        %get3A_78 = vector.shape_cast %get3A_77 : vector<16xf32> to vector<16xf32>
        %mul3A_79 = arith.mulf %get3A_73, %get3A_78 : vector<16xf32>
        %mul3A_80 = arith.constant 16 : i32
        %mul3A_81 = arith.muli %scan3A_68, %mul3A_80 : i32
        %swap3A = arith.index_cast %mul3A_81 : i32 to index
        %swap3A_82 = tpu.vector_load %arg9[%swap3A] {strides = array<i32>} : memref<2816xf32, #tpu.memory_space<vmem>>, vector<16xf32>,
        %swap3A_83 = vector.shape_cast %swap3A_82 : vector<16xf32> to vector<16xf32>
        %swap3A_84 = vector.shape_cast %mul3A_79 : vector<16xf32> to vector<16xf32>
        tpu.vector_store %arg9[%swap3A], %swap3A_84 {strides = array<i32>} : memref<2816xf32, #tpu.memory_space<vmem>>, vector<16xf32>,
        %scan3A_85 = arith.constant 0 : i32
        scf.yield %scan3A_85 : i32
      }
      %scan3A_59 = arith.constant 8 : i32
      %scan3A_60 = arith.constant 0 : i32
      %scan3A_61 = arith.constant 0 : i32
      %mul3A_62 = arith.constant 128 : i32
      %mul3A_63 = arith.muli %scan3A_61, %mul3A_62 : i32
      %mul3A_64 = arith.constant 128 : i32
      %mul3A_65 = arith.muli %scan3A_61, %mul3A_64 : i32
      "tpu.region"() ({
        %run_scoped3A = tpu.sem_alloc : memref<!tpu.dma_semaphore, #tpu.memory_space<semaphore_mem>>
        %dma_start3A = tpu.memref_slice %arg9[%mul3A_63] : memref<2816xf32, #tpu.memory_space<vmem>> -> memref<128xf32, #tpu.memory_space<vmem>>
        %dma_start3A_68 = tpu.memref_slice %arg7[%mul3A_65] : memref<2816xi32, #tpu.memory_space<vmem>> -> memref<128xi32, #tpu.memory_space<vmem>>
        %dma_start3A_69 = arith.constant 0 : i32
        %dma_start3A_70 = tpu.memref_slice %arg13[%dma_start3A_69] : memref<100352xf32, #tpu.memory_space<vmem_shared>> -> memref<100352xf32, #tpu.memory_space<vmem_shared>>
        tpu.enqueue_indirect_dma source(%dma_start3A : memref<128xf32, #tpu.memory_space<vmem>>) target(%dma_start3A_70 : memref<100352xf32, #tpu.memory_space<vmem_shared>>) offsets(%dma_start3A_68 : memref<128xi32, #tpu.memory_space<vmem>>) semaphore(%run_scoped3A : memref<!tpu.dma_semaphore, #tpu.memory_space<semaphore_mem>>) {add = true}
        %dma_wait3A = tpu.memref_slice %arg9[%mul3A_63] : memref<2816xf32, #tpu.memory_space<vmem>> -> memref<128xf32, #tpu.memory_space<vmem>>
        %dma_wait3A_71 = tpu.memref_slice %arg7[%mul3A_65] : memref<2816xi32, #tpu.memory_space<vmem>> -> memref<128xi32, #tpu.memory_space<vmem>>
        %dma_wait3A_72 = arith.constant 0 : i32
        %dma_wait3A_73 = tpu.memref_slice %arg13[%dma_wait3A_72] : memref<100352xf32, #tpu.memory_space<vmem_shared>> -> memref<100352xf32, #tpu.memory_space<vmem_shared>>
        tpu.wait_indirect_dma semaphore(%run_scoped3A : memref<!tpu.dma_semaphore, #tpu.memory_space<semaphore_mem>>) src(%dma_wait3A : memref<128xf32, #tpu.memory_space<vmem>>) dst(%dma_wait3A_73 : memref<100352xf32, #tpu.memory_space<vmem_shared>>)
        tpu.yield
      }) : () -> ()
      %scan3A_66 = arith.constant 0 : i32
      %scan3A_67 = arith.constant 1 : i32
    } else {
    }
    %barrier3A_29 = arith.constant 0 : index
    tpu.barrier barrier_id(%barrier3A_29)
    %mul3A_30 = arith.constant 6272 : i32
    %mul3A_31 = arith.muli %arg1, %mul3A_30 : i32
    "tpu.region"() ({
      %run_scoped3A = tpu.sem_alloc : memref<!tpu.dma_semaphore, #tpu.memory_space<semaphore_mem>>
      %dma_start3A = arith.constant 0 : i32
      %dma_start3A_37 = tpu.memref_slice %arg11[%dma_start3A] : memref<10000xf32, #tpu.memory_space<vmem>> -> memref<6272xf32, #tpu.memory_space<vmem>>
      %dma_start3A_38 = tpu.memref_slice %arg13[%mul3A_31] : memref<100352xf32, #tpu.memory_space<vmem_shared>> -> memref<6272xf32, #tpu.memory_space<vmem_shared>>
      %dma_start3A_39 = arith.constant 0 : i32
      %dma_start3A_40 = tpu.memref_slice %arg11[%dma_start3A_39] : memref<10000xf32, #tpu.memory_space<vmem>> -> memref<6272xf32, #tpu.memory_space<vmem>>
      %dma_start3A_41 = tpu.memref_slice %arg13[%mul3A_31] : memref<100352xf32, #tpu.memory_space<vmem_shared>> -> memref<6272xf32, #tpu.memory_space<vmem_shared>>
      tpu.enqueue_dma source(%dma_start3A_41 : memref<6272xf32, #tpu.memory_space<vmem_shared>>) target(%dma_start3A_40 : memref<6272xf32, #tpu.memory_space<vmem>>) target_semaphore(%run_scoped3A : memref<!tpu.dma_semaphore, #tpu.memory_space<semaphore_mem>>)
      %dma_wait3A = arith.constant 0 : i32
      %dma_wait3A_42 = tpu.memref_slice %arg11[%dma_wait3A] : memref<10000xf32, #tpu.memory_space<vmem>> -> memref<6272xf32, #tpu.memory_space<vmem>>
      %dma_wait3A_43 = tpu.memref_slice %arg13[%mul3A_31] : memref<100352xf32, #tpu.memory_space<vmem_shared>> -> memref<6272xf32, #tpu.memory_space<vmem_shared>>
      %dma_wait3A_44 = arith.constant 0 : i32
      %dma_wait3A_45 = tpu.memref_slice %arg11[%dma_wait3A_44] : memref<10000xf32, #tpu.memory_space<vmem>> -> memref<6272xf32, #tpu.memory_space<vmem>>
      %dma_wait3A_46 = tpu.memref_slice %arg13[%mul3A_31] : memref<100352xf32, #tpu.memory_space<vmem_shared>> -> memref<6272xf32, #tpu.memory_space<vmem_shared>>
      tpu.wait_dma2 semaphore(%run_scoped3A : memref<!tpu.dma_semaphore, #tpu.memory_space<semaphore_mem>>) src(%dma_wait3A_46 : memref<6272xf32, #tpu.memory_space<vmem_shared>>) dst(%dma_wait3A_45 : memref<6272xf32, #tpu.memory_space<vmem>>)
      tpu.yield
    }) : () -> ()
    %mul3A_32 = arith.constant 100352 : i32
    %mul3A_33 = arith.muli %arg0, %mul3A_32 : i32
    %mul3A_34 = arith.constant 6272 : i32
    %mul3A_35 = arith.muli %arg1, %mul3A_34 : i32
    %add3A_36 = arith.addi %mul3A_33, %mul3A_35 : i32
    "tpu.region"() ({
      %run_scoped3A = tpu.sem_alloc : memref<!tpu.dma_semaphore, #tpu.memory_space<semaphore_mem>>
      %dma_start3A = arith.constant 0 : i32
      %dma_start3A_37 = tpu.memref_slice %arg11[%dma_start3A] : memref<10000xf32, #tpu.memory_space<vmem>> -> memref<6272xf32, #tpu.memory_space<vmem>>
      %dma_start3A_38 = tpu.memref_slice %arg6[%add3A_36] : memref<200704xf32, #tpu.memory_space<hbm>> -> memref<6272xf32, #tpu.memory_space<hbm>>
      %dma_start3A_39 = tpu.memref_slice %arg6[%add3A_36] : memref<200704xf32, #tpu.memory_space<hbm>> -> memref<6272xf32, #tpu.memory_space<hbm>>
      %dma_start3A_40 = arith.constant 0 : i32
      %dma_start3A_41 = tpu.memref_slice %arg11[%dma_start3A_40] : memref<10000xf32, #tpu.memory_space<vmem>> -> memref<6272xf32, #tpu.memory_space<vmem>>
      tpu.enqueue_dma source(%dma_start3A_41 : memref<6272xf32, #tpu.memory_space<vmem>>) target(%dma_start3A_39 : memref<6272xf32, #tpu.memory_space<hbm>>) target_semaphore(%run_scoped3A : memref<!tpu.dma_semaphore, #tpu.memory_space<semaphore_mem>>)
      %dma_wait3A = arith.constant 0 : i32
      %dma_wait3A_42 = tpu.memref_slice %arg11[%dma_wait3A] : memref<10000xf32, #tpu.memory_space<vmem>> -> memref<6272xf32, #tpu.memory_space<vmem>>
      %dma_wait3A_43 = tpu.memref_slice %arg6[%add3A_36] : memref<200704xf32, #tpu.memory_space<hbm>> -> memref<6272xf32, #tpu.memory_space<hbm>>
      %dma_wait3A_44 = tpu.memref_slice %arg6[%add3A_36] : memref<200704xf32, #tpu.memory_space<hbm>> -> memref<6272xf32, #tpu.memory_space<hbm>>
      %dma_wait3A_45 = arith.constant 0 : i32
      %dma_wait3A_46 = tpu.memref_slice %arg11[%dma_wait3A_45] : memref<10000xf32, #tpu.memory_space<vmem>> -> memref<6272xf32, #tpu.memory_space<vmem>>
      tpu.wait_dma2 semaphore(%run_scoped3A : memref<!tpu.dma_semaphore, #tpu.memory_space<semaphore_mem>>) src(%dma_wait3A_46 : memref<6272xf32, #tpu.memory_space<vmem>>) dst(%dma_wait3A_44 : memref<6272xf32, #tpu.memory_space<hbm>>)
      tpu.yield
    }) : () -> ()
    return
  }
}

#map = affine_map<(d0, d1) -> (0)>
module attributes {stable_mosaic.version = 14 : i64} {
  func.func @_segsum(%arg0: i32, %arg1: i32, %arg2: memref<1600000xf32, #tpu.memory_space<hbm>>, %arg3: memref<1600000xi32, #tpu.memory_space<hbm>>, %arg4: memref<200704xf32, #tpu.memory_space<hbm>>, %arg5: memref<1920xi32, #tpu.memory_space<vmem>>, %arg6: memref<1920xf32, #tpu.memory_space<vmem>>, %arg7: memref<6272xf32, #tpu.memory_space<vmem>>, %arg8: memref<100352xf32, #tpu.memory_space<vmem_shared>>) attributes {dimension_semantics = [#tpu.dimension_semantics<core_parallel>, #tpu.dimension_semantics<subcore_parallel>], iteration_bounds = array<i64: 2, 16>, scalar_prefetch = 0 : i64, scratch_operands = 4 : i64, tpu.core_type = #tpu.core_type<sc_vector_subcore>, window_params = [{transform_indices = #map}, {transform_indices = #map}, {transform_indices = #map}]} {
    %mul3A = arith.constant 2 : i32
    %mul3A_0 = arith.muli %arg1, %mul3A : i32
    %add3A = arith.addi %mul3A_0, %arg0 : i32
    %scan3A = arith.constant 0 : i32
    %scan3A_1 = arith.constant 0 : i32
    %scan3A_2 = arith.constant 392 : i32
    %scan3A_3 = arith.addi %scan3A_1, %scan3A_2 : i32
    %scan3A_4 = arith.constant 1 : i32
    %scan3A_5 = scf.for %scan3A_30 = %scan3A_1 to %scan3A_3 step %scan3A_4 iter_args(%scan3A_31 = %scan3A) -> (i32)  : i32 {
      %broadcast_in_dim3A = arith.constant 0.000000e+00 : f32
      %broadcast_in_dim3A_32 = vector.broadcast %broadcast_in_dim3A : f32 to vector<16xf32>
      %mul3A_33 = arith.constant 16 : i32
      %mul3A_34 = arith.muli %scan3A_30, %mul3A_33 : i32
      %swap3A = arith.index_cast %mul3A_34 : i32 to index
      %swap3A_35 = tpu.vector_load %arg7[%swap3A] {strides = array<i32>} : memref<6272xf32, #tpu.memory_space<vmem>>, vector<16xf32>,
      %swap3A_36 = vector.shape_cast %swap3A_35 : vector<16xf32> to vector<16xf32>
      %swap3A_37 = vector.shape_cast %broadcast_in_dim3A_32 : vector<16xf32> to vector<16xf32>
      tpu.vector_store %arg7[%swap3A], %swap3A_37 {strides = array<i32>} : memref<6272xf32, #tpu.memory_space<vmem>>, vector<16xf32>,
      %scan3A_38 = arith.constant 0 : i32
      scf.yield %scan3A_38 : i32
    }
    %scan3A_6 = arith.constant 392 : i32
    %mul3A_7 = arith.constant 6272 : i32
    %mul3A_8 = arith.muli %arg1, %mul3A_7 : i32
    "tpu.region"() ({
      %run_scoped3A = tpu.sem_alloc : memref<!tpu.dma_semaphore, #tpu.memory_space<semaphore_mem>>
      %dma_start3A = tpu.memref_slice %arg8[%mul3A_8] : memref<100352xf32, #tpu.memory_space<vmem_shared>> -> memref<6272xf32, #tpu.memory_space<vmem_shared>>
      %dma_start3A_30 = tpu.memref_slice %arg8[%mul3A_8] : memref<100352xf32, #tpu.memory_space<vmem_shared>> -> memref<6272xf32, #tpu.memory_space<vmem_shared>>
      tpu.enqueue_dma source(%arg7 : memref<6272xf32, #tpu.memory_space<vmem>>) target(%dma_start3A_30 : memref<6272xf32, #tpu.memory_space<vmem_shared>>) target_semaphore(%run_scoped3A : memref<!tpu.dma_semaphore, #tpu.memory_space<semaphore_mem>>)
      %dma_wait3A = tpu.memref_slice %arg8[%mul3A_8] : memref<100352xf32, #tpu.memory_space<vmem_shared>> -> memref<6272xf32, #tpu.memory_space<vmem_shared>>
      %dma_wait3A_31 = tpu.memref_slice %arg8[%mul3A_8] : memref<100352xf32, #tpu.memory_space<vmem_shared>> -> memref<6272xf32, #tpu.memory_space<vmem_shared>>
      tpu.wait_dma2 semaphore(%run_scoped3A : memref<!tpu.dma_semaphore, #tpu.memory_space<semaphore_mem>>) src(%arg7 : memref<6272xf32, #tpu.memory_space<vmem>>) dst(%dma_wait3A_31 : memref<6272xf32, #tpu.memory_space<vmem_shared>>)
      tpu.yield
    }) : () -> ()
    %barrier3A = arith.constant 0 : index
    tpu.barrier barrier_id(%barrier3A)
    %mul3A_9 = arith.constant 390 : i32
    %mul3A_10 = arith.muli %add3A, %mul3A_9 : i32
    %min3A = arith.constant 20 : i32
    %min3A_11 = arith.minsi %add3A, %min3A : i32
    %add3A_12 = arith.addi %mul3A_10, %min3A_11 : i32
    %scan3A_13 = arith.constant 0 : i32
    %scan3A_14 = arith.constant 0 : i32
    %scan3A_15 = arith.constant 26 : i32
    %scan3A_16 = arith.addi %scan3A_14, %scan3A_15 : i32
    %scan3A_17 = arith.constant 1 : i32
    %scan3A_18 = scf.for %scan3A_30 = %scan3A_14 to %scan3A_16 step %scan3A_17 iter_args(%scan3A_31 = %scan3A_13) -> (i32)  : i32 {
      %mul3A_32 = arith.constant 15 : i32
      %mul3A_33 = arith.muli %scan3A_30, %mul3A_32 : i32
      %add3A_34 = arith.addi %add3A_12, %mul3A_33 : i32
      %mul3A_35 = arith.constant 128 : i32
      %mul3A_36 = arith.muli %add3A_34, %mul3A_35 : i32
      "tpu.region"() ({
        %run_scoped3A = tpu.sem_alloc : memref<!tpu.dma_semaphore, #tpu.memory_space<semaphore_mem>>
        %dma_start3A = arith.constant 0 : i32
        %dma_start3A_54 = tpu.memref_slice %arg5[%dma_start3A] : memref<1920xi32, #tpu.memory_space<vmem>> -> memref<1920xi32, #tpu.memory_space<vmem>>
        %dma_start3A_55 = tpu.memref_slice %arg3[%mul3A_36] : memref<1600000xi32, #tpu.memory_space<hbm>> -> memref<1920xi32, #tpu.memory_space<hbm>>
        %dma_start3A_56 = arith.constant 0 : i32
        %dma_start3A_57 = tpu.memref_slice %arg5[%dma_start3A_56] : memref<1920xi32, #tpu.memory_space<vmem>> -> memref<1920xi32, #tpu.memory_space<vmem>>
        %dma_start3A_58 = tpu.memref_slice %arg3[%mul3A_36] : memref<1600000xi32, #tpu.memory_space<hbm>> -> memref<1920xi32, #tpu.memory_space<hbm>>
        tpu.enqueue_dma source(%dma_start3A_58 : memref<1920xi32, #tpu.memory_space<hbm>>) target(%dma_start3A_57 : memref<1920xi32, #tpu.memory_space<vmem>>) target_semaphore(%run_scoped3A : memref<!tpu.dma_semaphore, #tpu.memory_space<semaphore_mem>>)
        %dma_wait3A = arith.constant 0 : i32
        %dma_wait3A_59 = tpu.memref_slice %arg5[%dma_wait3A] : memref<1920xi32, #tpu.memory_space<vmem>> -> memref<1920xi32, #tpu.memory_space<vmem>>
        %dma_wait3A_60 = tpu.memref_slice %arg3[%mul3A_36] : memref<1600000xi32, #tpu.memory_space<hbm>> -> memref<1920xi32, #tpu.memory_space<hbm>>
        %dma_wait3A_61 = arith.constant 0 : i32
        %dma_wait3A_62 = tpu.memref_slice %arg5[%dma_wait3A_61] : memref<1920xi32, #tpu.memory_space<vmem>> -> memref<1920xi32, #tpu.memory_space<vmem>>
        %dma_wait3A_63 = tpu.memref_slice %arg3[%mul3A_36] : memref<1600000xi32, #tpu.memory_space<hbm>> -> memref<1920xi32, #tpu.memory_space<hbm>>
        tpu.wait_dma2 semaphore(%run_scoped3A : memref<!tpu.dma_semaphore, #tpu.memory_space<semaphore_mem>>) src(%dma_wait3A_63 : memref<1920xi32, #tpu.memory_space<hbm>>) dst(%dma_wait3A_62 : memref<1920xi32, #tpu.memory_space<vmem>>)
        tpu.yield
      }) : () -> ()
      %mul3A_37 = arith.constant 128 : i32
      %mul3A_38 = arith.muli %add3A_34, %mul3A_37 : i32
      "tpu.region"() ({
        %run_scoped3A = tpu.sem_alloc : memref<!tpu.dma_semaphore, #tpu.memory_space<semaphore_mem>>
        %dma_start3A = arith.constant 0 : i32
        %dma_start3A_54 = tpu.memref_slice %arg6[%dma_start3A] : memref<1920xf32, #tpu.memory_space<vmem>> -> memref<1920xf32, #tpu.memory_space<vmem>>
        %dma_start3A_55 = tpu.memref_slice %arg2[%mul3A_38] : memref<1600000xf32, #tpu.memory_space<hbm>> -> memref<1920xf32, #tpu.memory_space<hbm>>
        %dma_start3A_56 = arith.constant 0 : i32
        %dma_start3A_57 = tpu.memref_slice %arg6[%dma_start3A_56] : memref<1920xf32, #tpu.memory_space<vmem>> -> memref<1920xf32, #tpu.memory_space<vmem>>
        %dma_start3A_58 = tpu.memref_slice %arg2[%mul3A_38] : memref<1600000xf32, #tpu.memory_space<hbm>> -> memref<1920xf32, #tpu.memory_space<hbm>>
        tpu.enqueue_dma source(%dma_start3A_58 : memref<1920xf32, #tpu.memory_space<hbm>>) target(%dma_start3A_57 : memref<1920xf32, #tpu.memory_space<vmem>>) target_semaphore(%run_scoped3A : memref<!tpu.dma_semaphore, #tpu.memory_space<semaphore_mem>>)
        %dma_wait3A = arith.constant 0 : i32
        %dma_wait3A_59 = tpu.memref_slice %arg6[%dma_wait3A] : memref<1920xf32, #tpu.memory_space<vmem>> -> memref<1920xf32, #tpu.memory_space<vmem>>
        %dma_wait3A_60 = tpu.memref_slice %arg2[%mul3A_38] : memref<1600000xf32, #tpu.memory_space<hbm>> -> memref<1920xf32, #tpu.memory_space<hbm>>
        %dma_wait3A_61 = arith.constant 0 : i32
        %dma_wait3A_62 = tpu.memref_slice %arg6[%dma_wait3A_61] : memref<1920xf32, #tpu.memory_space<vmem>> -> memref<1920xf32, #tpu.memory_space<vmem>>
        %dma_wait3A_63 = tpu.memref_slice %arg2[%mul3A_38] : memref<1600000xf32, #tpu.memory_space<hbm>> -> memref<1920xf32, #tpu.memory_space<hbm>>
        tpu.wait_dma2 semaphore(%run_scoped3A : memref<!tpu.dma_semaphore, #tpu.memory_space<semaphore_mem>>) src(%dma_wait3A_63 : memref<1920xf32, #tpu.memory_space<hbm>>) dst(%dma_wait3A_62 : memref<1920xf32, #tpu.memory_space<vmem>>)
        tpu.yield
      }) : () -> ()
      %scan3A_39 = arith.constant 0 : i32
      %scan3A_40 = arith.constant 0 : i32
      %scan3A_41 = arith.constant 120 : i32
      %scan3A_42 = arith.addi %scan3A_40, %scan3A_41 : i32
      %scan3A_43 = arith.constant 1 : i32
      %scan3A_44 = scf.for %scan3A_54 = %scan3A_40 to %scan3A_42 step %scan3A_43 iter_args(%scan3A_55 = %scan3A_39) -> (i32)  : i32 {
        %mul3A_56 = arith.constant 16 : i32
        %mul3A_57 = arith.muli %scan3A_54, %mul3A_56 : i32
        %get3A = arith.index_cast %mul3A_57 : i32 to index
        %get3A_58 = tpu.vector_load %arg6[%get3A] {strides = array<i32>} : memref<1920xf32, #tpu.memory_space<vmem>>, vector<16xf32>,
        %get3A_59 = vector.shape_cast %get3A_58 : vector<16xf32> to vector<16xf32>
        %exp3A = math.exp %get3A_59 : vector<16xf32>
        %mul3A_60 = arith.constant 16 : i32
        %mul3A_61 = arith.muli %scan3A_54, %mul3A_60 : i32
        %swap3A = arith.index_cast %mul3A_61 : i32 to index
        %swap3A_62 = tpu.vector_load %arg6[%swap3A] {strides = array<i32>} : memref<1920xf32, #tpu.memory_space<vmem>>, vector<16xf32>,
        %swap3A_63 = vector.shape_cast %swap3A_62 : vector<16xf32> to vector<16xf32>
        %swap3A_64 = vector.shape_cast %exp3A : vector<16xf32> to vector<16xf32>
        tpu.vector_store %arg6[%swap3A], %swap3A_64 {strides = array<i32>} : memref<1920xf32, #tpu.memory_space<vmem>>, vector<16xf32>,
        %scan3A_65 = arith.constant 0 : i32
        scf.yield %scan3A_65 : i32
      }
      %scan3A_45 = arith.constant 120 : i32
      %scan3A_46 = arith.constant 0 : i32
      %scan3A_47 = arith.constant 0 : i32
      %scan3A_48 = arith.constant 15 : i32
      %scan3A_49 = arith.addi %scan3A_47, %scan3A_48 : i32
      %scan3A_50 = arith.constant 1 : i32
      %scan3A_51 = scf.for %scan3A_54 = %scan3A_47 to %scan3A_49 step %scan3A_50 iter_args(%scan3A_55 = %scan3A_46) -> (i32)  : i32 {
        %mul3A_56 = arith.constant 128 : i32
        %mul3A_57 = arith.muli %scan3A_54, %mul3A_56 : i32
        %mul3A_58 = arith.constant 128 : i32
        %mul3A_59 = arith.muli %scan3A_54, %mul3A_58 : i32
        "tpu.region"() ({
          %run_scoped3A = tpu.sem_alloc : memref<!tpu.dma_semaphore, #tpu.memory_space<semaphore_mem>>
          %dma_start3A = tpu.memref_slice %arg6[%mul3A_57] : memref<1920xf32, #tpu.memory_space<vmem>> -> memref<128xf32, #tpu.memory_space<vmem>>
          %dma_start3A_61 = tpu.memref_slice %arg5[%mul3A_59] : memref<1920xi32, #tpu.memory_space<vmem>> -> memref<128xi32, #tpu.memory_space<vmem>>
          %dma_start3A_62 = arith.constant 0 : i32
          %dma_start3A_63 = tpu.memref_slice %arg8[%dma_start3A_62] : memref<100352xf32, #tpu.memory_space<vmem_shared>> -> memref<100352xf32, #tpu.memory_space<vmem_shared>>
          tpu.enqueue_indirect_dma source(%dma_start3A : memref<128xf32, #tpu.memory_space<vmem>>) target(%dma_start3A_63 : memref<100352xf32, #tpu.memory_space<vmem_shared>>) offsets(%dma_start3A_61 : memref<128xi32, #tpu.memory_space<vmem>>) semaphore(%run_scoped3A : memref<!tpu.dma_semaphore, #tpu.memory_space<semaphore_mem>>) {add = true}
          %dma_wait3A = tpu.memref_slice %arg6[%mul3A_57] : memref<1920xf32, #tpu.memory_space<vmem>> -> memref<128xf32, #tpu.memory_space<vmem>>
          %dma_wait3A_64 = tpu.memref_slice %arg5[%mul3A_59] : memref<1920xi32, #tpu.memory_space<vmem>> -> memref<128xi32, #tpu.memory_space<vmem>>
          %dma_wait3A_65 = arith.constant 0 : i32
          %dma_wait3A_66 = tpu.memref_slice %arg8[%dma_wait3A_65] : memref<100352xf32, #tpu.memory_space<vmem_shared>> -> memref<100352xf32, #tpu.memory_space<vmem_shared>>
          tpu.wait_indirect_dma semaphore(%run_scoped3A : memref<!tpu.dma_semaphore, #tpu.memory_space<semaphore_mem>>) src(%dma_wait3A : memref<128xf32, #tpu.memory_space<vmem>>) dst(%dma_wait3A_66 : memref<100352xf32, #tpu.memory_space<vmem_shared>>)
          tpu.yield
        }) : () -> ()
        %scan3A_60 = arith.constant 0 : i32
        scf.yield %scan3A_60 : i32
      }
      %scan3A_52 = arith.constant 15 : i32
      %scan3A_53 = arith.constant 0 : i32
      scf.yield %scan3A_53 : i32
    }
    %scan3A_19 = arith.constant 26 : i32
    %lt3A = arith.constant 20 : i32
    %lt3A_20 = arith.cmpi slt, %add3A, %lt3A : i32
    %convert_element_type3A = arith.extui %lt3A_20 : i1 to i32
    %cond3A = arith.constant 0 : i32
    %cond3A_21 = arith.cmpi ne, %convert_element_type3A, %cond3A : i32
    scf.if %cond3A_21 {
      %add3A_30 = arith.constant 390 : i32
      %add3A_31 = arith.addi %add3A_12, %add3A_30 : i32
      %mul3A_32 = arith.constant 128 : i32
      %mul3A_33 = arith.muli %add3A_31, %mul3A_32 : i32
      "tpu.region"() ({
        %run_scoped3A = tpu.sem_alloc : memref<!tpu.dma_semaphore, #tpu.memory_space<semaphore_mem>>
        %dma_start3A = arith.constant 0 : i32
        %dma_start3A_51 = tpu.memref_slice %arg5[%dma_start3A] : memref<1920xi32, #tpu.memory_space<vmem>> -> memref<128xi32, #tpu.memory_space<vmem>>
        %dma_start3A_52 = tpu.memref_slice %arg3[%mul3A_33] : memref<1600000xi32, #tpu.memory_space<hbm>> -> memref<128xi32, #tpu.memory_space<hbm>>
        %dma_start3A_53 = arith.constant 0 : i32
        %dma_start3A_54 = tpu.memref_slice %arg5[%dma_start3A_53] : memref<1920xi32, #tpu.memory_space<vmem>> -> memref<128xi32, #tpu.memory_space<vmem>>
        %dma_start3A_55 = tpu.memref_slice %arg3[%mul3A_33] : memref<1600000xi32, #tpu.memory_space<hbm>> -> memref<128xi32, #tpu.memory_space<hbm>>
        tpu.enqueue_dma source(%dma_start3A_55 : memref<128xi32, #tpu.memory_space<hbm>>) target(%dma_start3A_54 : memref<128xi32, #tpu.memory_space<vmem>>) target_semaphore(%run_scoped3A : memref<!tpu.dma_semaphore, #tpu.memory_space<semaphore_mem>>)
        %dma_wait3A = arith.constant 0 : i32
        %dma_wait3A_56 = tpu.memref_slice %arg5[%dma_wait3A] : memref<1920xi32, #tpu.memory_space<vmem>> -> memref<128xi32, #tpu.memory_space<vmem>>
        %dma_wait3A_57 = tpu.memref_slice %arg3[%mul3A_33] : memref<1600000xi32, #tpu.memory_space<hbm>> -> memref<128xi32, #tpu.memory_space<hbm>>
        %dma_wait3A_58 = arith.constant 0 : i32
        %dma_wait3A_59 = tpu.memref_slice %arg5[%dma_wait3A_58] : memref<1920xi32, #tpu.memory_space<vmem>> -> memref<128xi32, #tpu.memory_space<vmem>>
        %dma_wait3A_60 = tpu.memref_slice %arg3[%mul3A_33] : memref<1600000xi32, #tpu.memory_space<hbm>> -> memref<128xi32, #tpu.memory_space<hbm>>
        tpu.wait_dma2 semaphore(%run_scoped3A : memref<!tpu.dma_semaphore, #tpu.memory_space<semaphore_mem>>) src(%dma_wait3A_60 : memref<128xi32, #tpu.memory_space<hbm>>) dst(%dma_wait3A_59 : memref<128xi32, #tpu.memory_space<vmem>>)
        tpu.yield
      }) : () -> ()
      %mul3A_34 = arith.constant 128 : i32
      %mul3A_35 = arith.muli %add3A_31, %mul3A_34 : i32
      "tpu.region"() ({
        %run_scoped3A = tpu.sem_alloc : memref<!tpu.dma_semaphore, #tpu.memory_space<semaphore_mem>>
        %dma_start3A = arith.constant 0 : i32
        %dma_start3A_51 = tpu.memref_slice %arg6[%dma_start3A] : memref<1920xf32, #tpu.memory_space<vmem>> -> memref<128xf32, #tpu.memory_space<vmem>>
        %dma_start3A_52 = tpu.memref_slice %arg2[%mul3A_35] : memref<1600000xf32, #tpu.memory_space<hbm>> -> memref<128xf32, #tpu.memory_space<hbm>>
        %dma_start3A_53 = arith.constant 0 : i32
        %dma_start3A_54 = tpu.memref_slice %arg6[%dma_start3A_53] : memref<1920xf32, #tpu.memory_space<vmem>> -> memref<128xf32, #tpu.memory_space<vmem>>
        %dma_start3A_55 = tpu.memref_slice %arg2[%mul3A_35] : memref<1600000xf32, #tpu.memory_space<hbm>> -> memref<128xf32, #tpu.memory_space<hbm>>
        tpu.enqueue_dma source(%dma_start3A_55 : memref<128xf32, #tpu.memory_space<hbm>>) target(%dma_start3A_54 : memref<128xf32, #tpu.memory_space<vmem>>) target_semaphore(%run_scoped3A : memref<!tpu.dma_semaphore, #tpu.memory_space<semaphore_mem>>)
        %dma_wait3A = arith.constant 0 : i32
        %dma_wait3A_56 = tpu.memref_slice %arg6[%dma_wait3A] : memref<1920xf32, #tpu.memory_space<vmem>> -> memref<128xf32, #tpu.memory_space<vmem>>
        %dma_wait3A_57 = tpu.memref_slice %arg2[%mul3A_35] : memref<1600000xf32, #tpu.memory_space<hbm>> -> memref<128xf32, #tpu.memory_space<hbm>>
        %dma_wait3A_58 = arith.constant 0 : i32
        %dma_wait3A_59 = tpu.memref_slice %arg6[%dma_wait3A_58] : memref<1920xf32, #tpu.memory_space<vmem>> -> memref<128xf32, #tpu.memory_space<vmem>>
        %dma_wait3A_60 = tpu.memref_slice %arg2[%mul3A_35] : memref<1600000xf32, #tpu.memory_space<hbm>> -> memref<128xf32, #tpu.memory_space<hbm>>
        tpu.wait_dma2 semaphore(%run_scoped3A : memref<!tpu.dma_semaphore, #tpu.memory_space<semaphore_mem>>) src(%dma_wait3A_60 : memref<128xf32, #tpu.memory_space<hbm>>) dst(%dma_wait3A_59 : memref<128xf32, #tpu.memory_space<vmem>>)
        tpu.yield
      }) : () -> ()
      %scan3A_36 = arith.constant 0 : i32
      %scan3A_37 = arith.constant 0 : i32
      %scan3A_38 = arith.constant 8 : i32
      %scan3A_39 = arith.addi %scan3A_37, %scan3A_38 : i32
      %scan3A_40 = arith.constant 1 : i32
      %scan3A_41 = scf.for %scan3A_51 = %scan3A_37 to %scan3A_39 step %scan3A_40 iter_args(%scan3A_52 = %scan3A_36) -> (i32)  : i32 {
        %mul3A_53 = arith.constant 16 : i32
        %mul3A_54 = arith.muli %scan3A_51, %mul3A_53 : i32
        %get3A = arith.index_cast %mul3A_54 : i32 to index
        %get3A_55 = tpu.vector_load %arg6[%get3A] {strides = array<i32>} : memref<1920xf32, #tpu.memory_space<vmem>>, vector<16xf32>,
        %get3A_56 = vector.shape_cast %get3A_55 : vector<16xf32> to vector<16xf32>
        %exp3A = math.exp %get3A_56 : vector<16xf32>
        %mul3A_57 = arith.constant 16 : i32
        %mul3A_58 = arith.muli %scan3A_51, %mul3A_57 : i32
        %swap3A = arith.index_cast %mul3A_58 : i32 to index
        %swap3A_59 = tpu.vector_load %arg6[%swap3A] {strides = array<i32>} : memref<1920xf32, #tpu.memory_space<vmem>>, vector<16xf32>,
        %swap3A_60 = vector.shape_cast %swap3A_59 : vector<16xf32> to vector<16xf32>
        %swap3A_61 = vector.shape_cast %exp3A : vector<16xf32> to vector<16xf32>
        tpu.vector_store %arg6[%swap3A], %swap3A_61 {strides = array<i32>} : memref<1920xf32, #tpu.memory_space<vmem>>, vector<16xf32>,
        %scan3A_62 = arith.constant 0 : i32
        scf.yield %scan3A_62 : i32
      }
      %scan3A_42 = arith.constant 8 : i32
      %scan3A_43 = arith.constant 0 : i32
      %scan3A_44 = arith.constant 0 : i32
      %mul3A_45 = arith.constant 128 : i32
      %mul3A_46 = arith.muli %scan3A_44, %mul3A_45 : i32
      %mul3A_47 = arith.constant 128 : i32
      %mul3A_48 = arith.muli %scan3A_44, %mul3A_47 : i32
      "tpu.region"() ({
        %run_scoped3A = tpu.sem_alloc : memref<!tpu.dma_semaphore, #tpu.memory_space<semaphore_mem>>
        %dma_start3A = tpu.memref_slice %arg6[%mul3A_46] : memref<1920xf32, #tpu.memory_space<vmem>> -> memref<128xf32, #tpu.memory_space<vmem>>
        %dma_start3A_51 = tpu.memref_slice %arg5[%mul3A_48] : memref<1920xi32, #tpu.memory_space<vmem>> -> memref<128xi32, #tpu.memory_space<vmem>>
        %dma_start3A_52 = arith.constant 0 : i32
        %dma_start3A_53 = tpu.memref_slice %arg8[%dma_start3A_52] : memref<100352xf32, #tpu.memory_space<vmem_shared>> -> memref<100352xf32, #tpu.memory_space<vmem_shared>>
        tpu.enqueue_indirect_dma source(%dma_start3A : memref<128xf32, #tpu.memory_space<vmem>>) target(%dma_start3A_53 : memref<100352xf32, #tpu.memory_space<vmem_shared>>) offsets(%dma_start3A_51 : memref<128xi32, #tpu.memory_space<vmem>>) semaphore(%run_scoped3A : memref<!tpu.dma_semaphore, #tpu.memory_space<semaphore_mem>>) {add = true}
        %dma_wait3A = tpu.memref_slice %arg6[%mul3A_46] : memref<1920xf32, #tpu.memory_space<vmem>> -> memref<128xf32, #tpu.memory_space<vmem>>
        %dma_wait3A_54 = tpu.memref_slice %arg5[%mul3A_48] : memref<1920xi32, #tpu.memory_space<vmem>> -> memref<128xi32, #tpu.memory_space<vmem>>
        %dma_wait3A_55 = arith.constant 0 : i32
        %dma_wait3A_56 = tpu.memref_slice %arg8[%dma_wait3A_55] : memref<100352xf32, #tpu.memory_space<vmem_shared>> -> memref<100352xf32, #tpu.memory_space<vmem_shared>>
        tpu.wait_indirect_dma semaphore(%run_scoped3A : memref<!tpu.dma_semaphore, #tpu.memory_space<semaphore_mem>>) src(%dma_wait3A : memref<128xf32, #tpu.memory_space<vmem>>) dst(%dma_wait3A_56 : memref<100352xf32, #tpu.memory_space<vmem_shared>>)
        tpu.yield
      }) : () -> ()
      %scan3A_49 = arith.constant 0 : i32
      %scan3A_50 = arith.constant 1 : i32
    } else {
    }
    %barrier3A_22 = arith.constant 0 : index
    tpu.barrier barrier_id(%barrier3A_22)
    %mul3A_23 = arith.constant 6272 : i32
    %mul3A_24 = arith.muli %arg1, %mul3A_23 : i32
    "tpu.region"() ({
      %run_scoped3A = tpu.sem_alloc : memref<!tpu.dma_semaphore, #tpu.memory_space<semaphore_mem>>
      %dma_start3A = tpu.memref_slice %arg8[%mul3A_24] : memref<100352xf32, #tpu.memory_space<vmem_shared>> -> memref<6272xf32, #tpu.memory_space<vmem_shared>>
      %dma_start3A_30 = tpu.memref_slice %arg8[%mul3A_24] : memref<100352xf32, #tpu.memory_space<vmem_shared>> -> memref<6272xf32, #tpu.memory_space<vmem_shared>>
      tpu.enqueue_dma source(%dma_start3A_30 : memref<6272xf32, #tpu.memory_space<vmem_shared>>) target(%arg7 : memref<6272xf32, #tpu.memory_space<vmem>>) target_semaphore(%run_scoped3A : memref<!tpu.dma_semaphore, #tpu.memory_space<semaphore_mem>>)
      %dma_wait3A = tpu.memref_slice %arg8[%mul3A_24] : memref<100352xf32, #tpu.memory_space<vmem_shared>> -> memref<6272xf32, #tpu.memory_space<vmem_shared>>
      %dma_wait3A_31 = tpu.memref_slice %arg8[%mul3A_24] : memref<100352xf32, #tpu.memory_space<vmem_shared>> -> memref<6272xf32, #tpu.memory_space<vmem_shared>>
      tpu.wait_dma2 semaphore(%run_scoped3A : memref<!tpu.dma_semaphore, #tpu.memory_space<semaphore_mem>>) src(%dma_wait3A_31 : memref<6272xf32, #tpu.memory_space<vmem_shared>>) dst(%arg7 : memref<6272xf32, #tpu.memory_space<vmem>>)
      tpu.yield
    }) : () -> ()
    %mul3A_25 = arith.constant 100352 : i32
    %mul3A_26 = arith.muli %arg0, %mul3A_25 : i32
    %mul3A_27 = arith.constant 6272 : i32
    %mul3A_28 = arith.muli %arg1, %mul3A_27 : i32
    %add3A_29 = arith.addi %mul3A_26, %mul3A_28 : i32
    "tpu.region"() ({
      %run_scoped3A = tpu.sem_alloc : memref<!tpu.dma_semaphore, #tpu.memory_space<semaphore_mem>>
      %dma_start3A = tpu.memref_slice %arg4[%add3A_29] : memref<200704xf32, #tpu.memory_space<hbm>> -> memref<6272xf32, #tpu.memory_space<hbm>>
      %dma_start3A_30 = tpu.memref_slice %arg4[%add3A_29] : memref<200704xf32, #tpu.memory_space<hbm>> -> memref<6272xf32, #tpu.memory_space<hbm>>
      tpu.enqueue_dma source(%arg7 : memref<6272xf32, #tpu.memory_space<vmem>>) target(%dma_start3A_30 : memref<6272xf32, #tpu.memory_space<hbm>>) target_semaphore(%run_scoped3A : memref<!tpu.dma_semaphore, #tpu.memory_space<semaphore_mem>>)
      %dma_wait3A = tpu.memref_slice %arg4[%add3A_29] : memref<200704xf32, #tpu.memory_space<hbm>> -> memref<6272xf32, #tpu.memory_space<hbm>>
      %dma_wait3A_31 = tpu.memref_slice %arg4[%add3A_29] : memref<200704xf32, #tpu.memory_space<hbm>> -> memref<6272xf32, #tpu.memory_space<hbm>>
      tpu.wait_dma2 semaphore(%run_scoped3A : memref<!tpu.dma_semaphore, #tpu.memory_space<semaphore_mem>>) src(%arg7 : memref<6272xf32, #tpu.memory_space<vmem>>) dst(%dma_wait3A_31 : memref<6272xf32, #tpu.memory_space<hbm>>)
      tpu.yield
    }) : () -> ()
    return
  }
}

module attributes {stable_mosaic.version = 14 : i64} {
  func.func @_mlp_body(%arg0: i32, %arg1: memref<1024x128xf32, #tpu.memory_space<vmem>>, %arg2: memref<128x128xf32, #tpu.memory_space<vmem>>, %arg3: memref<128xf32, #tpu.memory_space<vmem>>, %arg4: memref<128x128xf32, #tpu.memory_space<vmem>>, %arg5: memref<128xf32, #tpu.memory_space<vmem>>, %arg6: memref<1x128xf32, #tpu.memory_space<vmem>>, %arg7: memref<1xf32, #tpu.memory_space<vmem>>, %arg8: memref<1024xf32, #tpu.memory_space<vmem>>) attributes {dimension_semantics = [#tpu.dimension_semantics<arbitrary>], iteration_bounds = array<i64: 98>, scalar_prefetch = 0 : i64, scratch_operands = 0 : i64, tpu.core_type = #tpu.core_type<tc>, window_params = [{transform_indices = @transform_0, window_bounds = array<i64: 1024, 128>}, {pipeline_mode = #tpu.pipeline_mode<synchronous>, transform_indices = @transform_1, window_bounds = array<i64: 128, 128>}, {pipeline_mode = #tpu.pipeline_mode<synchronous>, transform_indices = @transform_2, window_bounds = array<i64: 128>}, {pipeline_mode = #tpu.pipeline_mode<synchronous>, transform_indices = @transform_3, window_bounds = array<i64: 128, 128>}, {pipeline_mode = #tpu.pipeline_mode<synchronous>, transform_indices = @transform_4, window_bounds = array<i64: 128>}, {pipeline_mode = #tpu.pipeline_mode<synchronous>, transform_indices = @transform_5, window_bounds = array<i64: 1, 128>}, {pipeline_mode = #tpu.pipeline_mode<synchronous>, transform_indices = @transform_6, window_bounds = array<i64: 1>}, {transform_indices = @transform_7, window_bounds = array<i64: 1024>}]} {
    %get3A = arith.constant 0 : index
    %get3A_0 = arith.constant 0 : index
    %get3A_1 = vector.load %arg1[%get3A, %get3A_0] : memref<1024x128xf32, #tpu.memory_space<vmem>>, vector<1024x128xf32>
    %get3A_2 = arith.constant 0 : index
    %get3A_3 = arith.constant 0 : index
    %get3A_4 = vector.load %arg2[%get3A_2, %get3A_3] : memref<128x128xf32, #tpu.memory_space<vmem>>, vector<128x128xf32>
    %dot_general3A = arith.constant dense<0.000000e+00> : vector<1024x128xf32>
    %dot_general3A_5 = tpu.matmul %get3A_1, %get3A_4, %dot_general3A {dimension_numbers = #tpu.dot_dimension_numbers<[1], [1], [0], [0], [0, 0, 1, 0], [], []>, transpose_lhs_hint = false} : vector<1024x128xf32>, vector<128x128xf32>, vector<1024x128xf32> -> vector<1024x128xf32>
    %get3A_6 = arith.constant 0 : index
    %get3A_7 = vector.load %arg3[%get3A_6] : memref<128xf32, #tpu.memory_space<vmem>>, vector<128xf32>
    %broadcast_in_dim3A = vector.shape_cast %get3A_7 : vector<128xf32> to vector<1x128xf32>
    %add3A = vector.broadcast %broadcast_in_dim3A : vector<1x128xf32> to vector<1024x128xf32>
    %add3A_8 = arith.addf %dot_general3A_5, %add3A : vector<1024x128xf32>
    %max3A = arith.constant 0.000000e+00 : f32
    %max3A_9 = vector.broadcast %max3A : f32 to vector<1024x128xf32>
    %max3A_10 = arith.maximumf %add3A_8, %max3A_9 : vector<1024x128xf32>
    %get3A_11 = arith.constant 0 : index
    %get3A_12 = arith.constant 0 : index
    %get3A_13 = vector.load %arg4[%get3A_11, %get3A_12] : memref<128x128xf32, #tpu.memory_space<vmem>>, vector<128x128xf32>
    %dot_general3A_14 = arith.constant dense<0.000000e+00> : vector<1024x128xf32>
    %dot_general3A_15 = tpu.matmul %max3A_10, %get3A_13, %dot_general3A_14 {dimension_numbers = #tpu.dot_dimension_numbers<[1], [1], [0], [0], [0, 0, 1, 0], [], []>, transpose_lhs_hint = false} : vector<1024x128xf32>, vector<128x128xf32>, vector<1024x128xf32> -> vector<1024x128xf32>
    %get3A_16 = arith.constant 0 : index
    %get3A_17 = vector.load %arg5[%get3A_16] : memref<128xf32, #tpu.memory_space<vmem>>, vector<128xf32>
    %broadcast_in_dim3A_18 = vector.shape_cast %get3A_17 : vector<128xf32> to vector<1x128xf32>
    %add3A_19 = vector.broadcast %broadcast_in_dim3A_18 : vector<1x128xf32> to vector<1024x128xf32>
    %add3A_20 = arith.addf %dot_general3A_15, %add3A_19 : vector<1024x128xf32>
    %get3A_21 = arith.constant 0 : index
    %get3A_22 = arith.constant 0 : index
    %get3A_23 = vector.load %arg6[%get3A_21, %get3A_22] : memref<1x128xf32, #tpu.memory_space<vmem>>, vector<1x128xf32>
    %mul3A = vector.broadcast %get3A_23 : vector<1x128xf32> to vector<1024x128xf32>
    %mul3A_24 = arith.mulf %add3A_20, %mul3A : vector<1024x128xf32>
    %reduce_sum3A = arith.constant dense<0.000000e+00> : vector<1024xf32>
    %reduce_sum3A_25 = vector.multi_reduction <add>, %mul3A_24, %reduce_sum3A [1] : vector<1024x128xf32> to vector<1024xf32>
    %get3A_26 = arith.constant 0 : index
    %get3A_27 = vector.load %arg7[%get3A_26] : memref<1xf32, #tpu.memory_space<vmem>>, vector<1xf32>
    %add3A_28 = vector.broadcast %get3A_27 : vector<1xf32> to vector<1024xf32>
    %add3A_29 = arith.addf %reduce_sum3A_25, %add3A_28 : vector<1024xf32>
    %swap3A = arith.constant 0 : index
    %swap3A_30 = vector.load %arg8[%swap3A] : memref<1024xf32, #tpu.memory_space<vmem>>, vector<1024xf32>
    tpu.vector_store %arg8[%swap3A], %add3A_29 {strides = array<i32>} : memref<1024xf32, #tpu.memory_space<vmem>>, vector<1024xf32>,
    return
  }
  func.func @transform_0(%arg0: i32) -> (i32, i32) {
    %c0_i32 = arith.constant 0 : i32
    %c0_i32_0 = arith.constant 0 : i32
    return %arg0, %c0_i32 : i32, i32
  }
  func.func @transform_1(%arg0: i32) -> (i32, i32) {
    %c0_i32 = arith.constant 0 : i32
    %c0_i32_0 = arith.constant 0 : i32
    %c0_i32_1 = arith.constant 0 : i32
    return %c0_i32, %c0_i32_0 : i32, i32
  }
  func.func @transform_2(%arg0: i32) -> i32 {
    %c0_i32 = arith.constant 0 : i32
    %c0_i32_0 = arith.constant 0 : i32
    return %c0_i32 : i32
  }
  func.func @transform_3(%arg0: i32) -> (i32, i32) {
    %c0_i32 = arith.constant 0 : i32
    %c0_i32_0 = arith.constant 0 : i32
    %c0_i32_1 = arith.constant 0 : i32
    return %c0_i32, %c0_i32_0 : i32, i32
  }
  func.func @transform_4(%arg0: i32) -> i32 {
    %c0_i32 = arith.constant 0 : i32
    %c0_i32_0 = arith.constant 0 : i32
    return %c0_i32 : i32
  }
  func.func @transform_5(%arg0: i32) -> (i32, i32) {
    %c0_i32 = arith.constant 0 : i32
    %c0_i32_0 = arith.constant 0 : i32
    %c0_i32_1 = arith.constant 0 : i32
    return %c0_i32, %c0_i32_0 : i32, i32
  }
  func.func @transform_6(%arg0: i32) -> i32 {
    %c0_i32 = arith.constant 0 : i32
    %c0_i32_0 = arith.constant 0 : i32
    return %c0_i32 : i32
  }
  func.func @transform_7(%arg0: i32) -> i32 {
    %c0_i32 = arith.constant 0 : i32
    return %arg0 : i32
  }
}

module attributes {stable_mosaic.version = 14 : i64} {
  func.func @_fin_body(%arg0: i32, %arg1: memref<1024xf32, #tpu.memory_space<vmem>>, %arg2: memref<1024xf32, #tpu.memory_space<vmem>>, %arg3: memref<1024xf32, #tpu.memory_space<vmem>>, %arg4: memref<1024xf32, #tpu.memory_space<vmem>>, %arg5: memref<1024xf32, #tpu.memory_space<vmem>>) attributes {dimension_semantics = [#tpu.dimension_semantics<arbitrary>], iteration_bounds = array<i64: 98>, scalar_prefetch = 0 : i64, scratch_operands = 0 : i64, tpu.core_type = #tpu.core_type<tc>, window_params = [{transform_indices = @transform_0, window_bounds = array<i64: 1024>}, {transform_indices = @transform_1, window_bounds = array<i64: 1024>}, {transform_indices = @transform_2, window_bounds = array<i64: 1024>}, {transform_indices = @transform_3, window_bounds = array<i64: 1024>}, {transform_indices = @transform_4, window_bounds = array<i64: 1024>}]} {
    %get3A = arith.constant 0 : index
    %get3A_0 = vector.load %arg1[%get3A] : memref<1024xf32, #tpu.memory_space<vmem>>, vector<1024xf32>
    %get3A_1 = arith.constant 0 : index
    %get3A_2 = vector.load %arg2[%get3A_1] : memref<1024xf32, #tpu.memory_space<vmem>>, vector<1024xf32>
    %get3A_3 = arith.constant 0 : index
    %get3A_4 = vector.load %arg3[%get3A_3] : memref<1024xf32, #tpu.memory_space<vmem>>, vector<1024xf32>
    %add3A = arith.addf %get3A_2, %get3A_4 : vector<1024xf32>
    %jit3A = arith.constant 9.99999997E-7 : f32
    %jit3A_5 = arith.constant 0.999998986 : f32
    %max3A = vector.broadcast %jit3A : f32 to vector<1024xf32>
    %max3A_6 = arith.maximumf %max3A, %add3A : vector<1024xf32>
    %min3A = vector.broadcast %jit3A_5 : f32 to vector<1024xf32>
    %min3A_7 = arith.minimumf %min3A, %max3A_6 : vector<1024xf32>
    %log3A = math.log %min3A_7 : vector<1024xf32>
    %neg3A = arith.constant 0.000000e+00 : f32
    %neg3A_8 = vector.broadcast %neg3A : f32 to vector<1024xf32>
    %neg3A_9 = arith.subf %neg3A_8, %min3A_7 : vector<1024xf32>
    %log1p3A = math.log1p %neg3A_9 : vector<1024xf32>
    %sub3A = arith.subf %log3A, %log1p3A : vector<1024xf32>
    %logistic3A = arith.negf %get3A_0 : vector<1024xf32>
    %logistic3A_10 = math.exp %logistic3A : vector<1024xf32>
    %logistic3A_11 = arith.constant 1.000000e+00 : f32
    %logistic3A_12 = vector.broadcast %logistic3A_11 : f32 to vector<1024xf32>
    %logistic3A_13 = arith.addf %logistic3A_12, %logistic3A_10 : vector<1024xf32>
    %logistic3A_14 = arith.divf %logistic3A_12, %logistic3A_13 : vector<1024xf32>
    %swap3A = arith.constant 0 : index
    %swap3A_15 = vector.load %arg4[%swap3A] : memref<1024xf32, #tpu.memory_space<vmem>>, vector<1024xf32>
    tpu.vector_store %arg4[%swap3A], %logistic3A_14 {strides = array<i32>} : memref<1024xf32, #tpu.memory_space<vmem>>, vector<1024xf32>,
    %add3A_16 = arith.addf %get3A_0, %sub3A : vector<1024xf32>
    %swap3A_17 = arith.constant 0 : index
    %swap3A_18 = vector.load %arg5[%swap3A_17] : memref<1024xf32, #tpu.memory_space<vmem>>, vector<1024xf32>
    tpu.vector_store %arg5[%swap3A_17], %add3A_16 {strides = array<i32>} : memref<1024xf32, #tpu.memory_space<vmem>>, vector<1024xf32>,
    return
  }
  func.func @transform_0(%arg0: i32) -> i32 {
    %c0_i32 = arith.constant 0 : i32
    return %arg0 : i32
  }
  func.func @transform_1(%arg0: i32) -> i32 {
    %c0_i32 = arith.constant 0 : i32
    return %arg0 : i32
  }
  func.func @transform_2(%arg0: i32) -> i32 {
    %c0_i32 = arith.constant 0 : i32
    return %arg0 : i32
  }
  func.func @transform_3(%arg0: i32) -> i32 {
    %c0_i32 = arith.constant 0 : i32
    return %arg0 : i32
  }
  func.func @transform_4(%arg0: i32) -> i32 {
    %c0_i32 = arith.constant 0 : i32
    return %arg0 : i32
  }
}

</mosaic_0001>

<sc_bundles>
// kernel: kernel.10.cloned.1.call-start
scs
__scs_entry_jumppad:
0x0: {  	(pc) =	sbr.rel $0x88, $3  }
0x1: {  	(tag) =	ssettag $0x0;
	lr =	simm.s32 $0x1  }
0x2: {  	[smem:$0x3F95] =	sst lr;
	_ =	strace $0xD0000000  }
0x3: {  	_ = 	snop  }
0x4: {  	_ = 	snop  }
0x5: {  	_ = 	snop  }
0x6: {  	_ = 	snop  }
0x7: {  	_ = 	snop  }
__scs_overlays_trampoline_lowered:
0x8: {  	[smem:$0x3FA4] =	sst s0  }
0x9: {  	[smem:$0x3FA5] =	sst s1  }
0xa: {  	[smem:$0x3FA6] =	sst s2  }
0xb: {  	[smem:$0x3FA7] =	sst s3  }
0xc: {  	[smem:$0x3FA8] =	sst s4  }
0xd: {  	[smem:$0x3FA9] =	sst s5  }
0xe: {  	[smem:$0x3FAA] =	sst s6  }
0xf: {  	[smem:$0x3FAB] =	sst s7  }
0x10: {  	[smem:$0x3FAC] =	sst s8  }
0x11: {  	[smem:$0x3FAD] =	sst s9;
	s0 =	simm.s32 @!p0 $0x0  }
0x12: {  	s1 =	sld [smem:$0x3F93];
	s0 =	simm.s32 @p0 $0x1  }
0x13: {  	[smem:$0x3FAE] =	sst s0;
	s0 =	simm.s32 @!p1 $0x0  }
0x14: {  	s2 =	sld [smem:$0x3F92];
	s0 =	simm.s32 @p1 $0x1  }
0x15: {  	[smem:$0x3FAF] =	sst s0;
	s0 =	simm.s32 @!p2 $0x0  }
0x16: {  	s3 =	sld [smem:$0x3FDB];
	s0 =	simm.s32 @p2 $0x1  }
0x17: {  	s4 =	simm.s32 $0x1BF5;
	[smem:$0x3FB1] =	sst s0  }
0x18: {  	s0 =	sld [smem:$0x3F94];
	_ =	swait.ge [sflag:s4], $0x0  }
0x19: {  	s7 =	sld [smem:$0x3F95]  }
0x1a: {  	s8 =	sadd.s32 $0xFFFFE003, lr  }
0x1b: {  	s9 =	sadd.s32 $0xFFFFFEF7, lr;
	s5 =	simm.s32 $0xFFFFFFFF;
	p2 =	slt.u32 s8, $0xFFFFF086  }
0x1c: {  	p1 =	slt.u32 s9, $0xF7A;
	s5 =	simm.s32 @!p2 $0x0  }
0x1d: {  	s5 =	simm.s32 @p1 $0x1;
	p0 =	seq.s32 s7, s2  }
0x1e: {  	s7 =	smul.u32 @!p0 $0xF7A, s2;
	p2 =	seq.s32 @!p0 s5, $0x0  }
0x1f: {  	s9 =	smul.u32 $0xF7A, s1;
	s8 =	simm.s32 @!p0 $0x1BF5;
	p2 =	por !p2, p0  }
0x20: {  	[sflag:s8] =	ssyncset.s32 @!p0 $0xFFFFF086;
	s6 =	sadd.s32 @!p0 s3, s7;
	s7 =	simm.s32 @!p0 $0x108  }
0x21: {  	s3 =	sadd.s32 s3, s9;
	s6 =	sadd.s32 @!p0 $0x88, s6;
	s7 =	simm.s32 @p2 $0x1082  }
0x22: {  	[simem:s7], [sflag:s8] =	dma.local @!p0 [hbm:s6], $0xF7A  }
0x23: {  	s9 =	sor.u32 $0xD0000000, s2;
	s6 =	simm.s32 $0x108;
	_ =	swait.ge @!p0 [sflag:s8], $0x0  }
0x24: {  	s3 =	sadd.s32 $0x88, s3;
	s6 =	simm.s32 @!p1 $0x1082;
	[sflag:s4] =	ssyncset.s32 $0xFFFFF086  }
0x25: {  	[simem:s6], [sflag:s4] =	dma.local [hbm:s3], $0xF7A  }
0x26: {  	[smem:$0x3F95] =	sst s1;
	(tag) =	ssettag s2;
	_ =	strace s9  }
0x27: {  	s1 =	sld [smem:$0x3FA5]  }
0x28: {  	s2 =	sld [smem:$0x3FA6]  }
0x29: {  	s4 =	sld [smem:$0x3FA8]  }
0x2a: {  	p0 =	seq.s32 s5, $0x0;
	s5 =	sld [smem:$0x3FA9]  }
0x2b: {  	s6 =	sld [smem:$0x3FAA]  }
0x2c: {  	s7 =	sld [smem:$0x3FAB]  }
0x2d: {  	s3 =	simm.s32 $0x108;
	s8 =	sld [smem:$0x3FAC]  }
0x2e: {  	s3 =	simm.s32 @!p0 $0x1082;
	s9 =	sld [smem:$0x3FAD]  }
0x2f: {  	lr =	sadd.s32 s0, s3;
	s0 =	sld [smem:$0x3FA4]  }
0x30: {  	s3 =	sld [smem:$0x3FA7]  }
0x31: {  	[smem:$0x3FB0] =	sst s10  }
0x32: {  	s10 =	sld [smem:$0x3FAE];
	_ =	sdelay $0x3  }
0x33: {  	p0 =	seq.s32 s10, $0x1;
	s10 =	sld [smem:$0x3FB0];
	_ =	sdelay $0x3  }
0x34: {  	[smem:$0x3FB0] =	sst s10  }
0x35: {  	s10 =	sld [smem:$0x3FAF];
	_ =	sdelay $0x3  }
0x36: {  	p1 =	seq.s32 s10, $0x1;
	s10 =	sld [smem:$0x3FB0];
	_ =	sdelay $0x3  }
0x37: {  	[smem:$0x3FB0] =	sst s10  }
0x38: {  	s10 =	sld [smem:$0x3FB1]  }
0x39: {  	_ = 	snop;
	(pc) =	sbr.ind lr, $3  }
0x3a: {  	_ = 	snop  }
0x3b: {  	_ = 	snop  }
0x3c: {  	p2 =	seq.s32 s10, $0x1;
	s10 =	sld [smem:$0x3FB0]  }
0x3d: {  	_ =	shalt  }
0x3e: {  	_ =	shalt  }
0x3f: {  	_ =	shalt  }
0x40: {  	_ =	shalt  }
0x41: {  	_ =	shalt  }
0x42: {  	_ =	shalt  }
0x43: {  	_ =	shalt  }
0x44: {  	_ =	shalt  }
0x45: {  	_ =	shalt  }
0x46: {  	_ =	shalt  }
0x47: {  	_ =	shalt  }
0x48: {  	_ =	shalt  }
0x49: {  	_ =	shalt  }
0x4a: {  	_ =	shalt  }
0x4b: {  	_ =	shalt  }
0x4c: {  	_ =	shalt  }
0x4d: {  	_ =	shalt  }
0x4e: {  	_ =	shalt  }
0x4f: {  	_ =	shalt  }
0x50: {  	_ =	shalt  }
0x51: {  	_ =	shalt  }
0x52: {  	_ =	shalt  }
0x53: {  	_ =	shalt  }
0x54: {  	_ =	shalt  }
0x55: {  	_ =	shalt  }
0x56: {  	_ =	shalt  }
0x57: {  	_ =	shalt  }
0x58: {  	_ =	shalt  }
0x59: {  	_ =	shalt  }
0x5a: {  	_ =	shalt  }
0x5b: {  	_ =	shalt  }
0x5c: {  	_ =	shalt  }
0x5d: {  	_ =	shalt  }
0x5e: {  	_ =	shalt  }
0x5f: {  	_ =	shalt  }
0x60: {  	_ =	shalt  }
0x61: {  	_ =	shalt  }
0x62: {  	_ =	shalt  }
0x63: {  	_ =	shalt  }
0x64: {  	_ =	shalt  }
0x65: {  	_ =	shalt  }
0x66: {  	_ =	shalt  }
0x67: {  	_ =	shalt  }
0x68: {  	_ =	shalt  }
0x69: {  	_ =	shalt  }
0x6a: {  	_ =	shalt  }
0x6b: {  	_ =	shalt  }
0x6c: {  	_ =	shalt  }
0x6d: {  	_ =	shalt  }
0x6e: {  	_ =	shalt  }
0x6f: {  	_ =	shalt  }
0x70: {  	_ =	shalt  }
0x71: {  	_ =	shalt  }
0x72: {  	_ =	shalt  }
0x73: {  	_ =	shalt  }
0x74: {  	_ =	shalt  }
0x75: {  	_ =	shalt  }
0x76: {  	_ =	shalt  }
0x77: {  	_ =	shalt  }
0x78: {  	_ =	shalt  }
0x79: {  	_ =	shalt  }
0x7a: {  	_ =	shalt  }
0x7b: {  	_ =	shalt  }
0x7c: {  	_ =	shalt  }
0x7d: {  	_ =	shalt  }
0x7e: {  	_ =	shalt  }
0x7f: {  	_ =	shalt  }
0x80: {  	_ =	shalt  }
0x81: {  	_ =	shalt  }
0x82: {  	_ =	shalt  }
0x83: {  	_ =	shalt  }
0x84: {  	_ =	shalt  }
0x85: {  	_ =	shalt  }
0x86: {  	_ =	shalt  }
0x87: {  	_ =	shalt  }
.Lfunc_end0:
.L_simem_size_0:
called_computation.1_lowered:
.L_overlay_start_0:
0x88: {  	s2 =	sld [smem:$0x3FD9]  }
0x89: {  	s3 =	sld [smem:$0x3FFE];
	_ =	sdelay $0x1  }
0x8a: {  	s1 =	srdreg.scid  }
0x8b: {  	s0 =	sand.u32 $0x1, s1  }
0x8c: {  	s17 =	sshll.u32 s0, $0xA;
	s2 =	sadd.s32 s3, s2  }
0x8d: {  	s2 =	sadd.s32 s2, s17  }
0x8e: {  	[smem:$0x3FBC] =	sst s2  }
0x8f: {  	_ = 	snop  }
0x90: {  	s2 =	sld [smem:$0x3FC7]  }
0x91: {  	s18 =	sld [smem:$0x3FC4];
	(tm) =	ssettm $0x1  }
0x92: {  	s4 =	sld [smem:$0x3FFB];
	_ =	sdelay $0x3  }
0x93: {  	_ =	strace s4  }
0x94: {  	s4 =	sld [smem:$0x3FFC];
	_ =	sdelay $0x3  }
0x95: {  	_ =	strace s4  }
0x96: {  	s4 =	sld [smem:$0x3FFD];
	_ =	sdelay $0x3  }
0x97: {  	_ =	strace s4  }
0x98: {  	_ =	strace $0x8FFFFFFF  }
0x99: {  	s19 =	sld [smem:$0x3FDB];
	_ =	sdelay $0x1  }
0x9a: {  	s5 =	simm.s32 $_scs_section_size  }
0x9b: {  	s6 =	simm.s32 $_size__tile_overlayer_lowered;
	s7 =	simm.s32 $_tile_overlayer_lowered  }
0x9c: {  	s22 =	simm.s32 $0x1BFF;
	s21 =	sshll.u32 s7, $0x1;
	s4 =	sadd.s32 s5, s19  }
0x9d: {  	s8 =	simm.s32 $0x0;
	s20 =	sshll.u32 s6, $0x1;
	s6 =	sadd.s32 s21, s4  }
0x9e: {  	[timem:s8], [sflag:s22] =	dma.local [hbm:s6], s20  }
0x9f: {  	_ =	swait.ge [sflag:s22], s20  }
0xa0: {  	s5 =	ssub.s32 $0x0, s20;
	[sflag:s22] =	ssyncset.done $0x0  }
0xa1: {  	[sflag:s22] =	ssyncadd.s32 s5;
	_ =	sdelay $0x1  }
0xa2: {  	s23 =	simm.s32 $0x1B8B  }
0xa3: {  	_ =	swait.ge [sflag:s23], $0x1  }
0xa4: {  	[sflag:s23] =	ssyncset.done $0x0  }
0xa5: {  	s25 =	simm.s32 $0x1B8E;
	s24 =	sld [smem:$0x3FFE];
	[sflag:s23] =	ssyncadd.s32 $0xFFFFFFFF  }
0xa6: {  	s26 =	simm.s32 $execute0_lowered;
	[smem:$0x3FD2] =	sst s25  }
0xa7: {  	s6 =	sshll.u32 s26, $0x1;
	_ =	strace $0x80000049;
	[dreg:$0x1] =	wrdreg $0xFFFFFFFF  }
0xa8: {  	s28 =	simm.s32 $_size_execute0_lowered;
	s4 =	sadd.s32 s4, s6;
	[dreg:$0x0] =	wrdreg $0x0  }
0xa9: {  	s6 =	sshll.u32 s28, $0x1;
	[dreg:$0x2] =	wrdreg s4  }
0xaa: {  	[dreg:$0x3] =	wrdreg s6  }
0xab: {  	[dreg:$0x4] =	wrdreg $0xC0  }
0xac: {  	_ =	task [dreg:s8], $0x5FFFF  }
0xad: {  	[dreg:$0x1] =	wrdreg $0xFFFFFFFF  }
0xae: {  	[dreg:$0x0] =	wrdreg $0x60  }
0xaf: {  	[dreg:$0x2] =	wrdreg s2  }
0xb0: {  	[dreg:$0x3] =	wrdreg s18  }
0xb1: {  	[dreg:$0x4] =	wrdreg s24  }
0xb2: {  	[dreg:$0x5] =	wrdreg $0x47800  }
0xb3: {  	[dreg:$0x6] =	wrdreg $0x9  }
0xb4: {  	_ =	task.clear_ibuf [dreg:s8], $0x7FFFF;
	_ =	strace $0x90000049  }
0xb5: {  	s29 =	simm.s32 $0x9;
	_ =	strace $0x8000004B  }
0xb6: {  	_ =	swait.ge [sflag:s29], $0x1  }
0xb7: {  	[sflag:s29] =	ssyncadd.s32 $0xFFFFFFFF  }
0xb8: {  	_ =	strace $0x9000004B  }
0xb9: {  	_ =	sfence  }
0xba: {  	s30 =	sld [smem:$0x0];
	_ =	sdelay $0x2  }
0xbb: {  	s31 =	sshll.u32 s1, $0xD;
	s1 =	sshrl.u32 s1, $0x2  }
0xbc: {  	s3 =	sand.u32 $0x4000, s31;
	s1 =	sadd.s32 s1, s30  }
0xbd: {  	s0 =	sor.u32 s3, s0;
	s1 =	sshll.u32 s1, $0x11  }
0xbe: {  	s0 =	sor.u32 s1, s0  }
0xbf: {  	s0 =	sadd.s32 $0x8F2B, s0  }
0xc0: {  	[sflag:s0] =	ssyncadd.remote.s32 $0x1  }
0xc1: {  	_ =	sfence.sel $0xFFFF  }
0xc2: {  	[dreg:$0x0] =	wrdreg $0xFFFFFFFF;
	(pc) =	sbr.abs _section_cstart, $3  }
0xc3: {  	[dreg:$0x1] =	wrdreg $0xFFFFFFFF  }
0xc4: {  	_ =	task.clear_ibuf [dreg:s8], $0x2FFFF;
	_ =	strace $0x9FFFFFFF  }
0xc5: {  	(tm) =	ssettm $0x7FFFFFFF  }
tec
execute0_lowered:
.L_overlay_start_1:
0x0: {  	(tag) =	ssettag $0x1  }
0x1: {  	s9 =	rddreg [dreg:$0x0]  }
0x2: {  	s10 =	rddreg [dreg:$0x1]  }
0x3: {  	s0 =	rddreg [dreg:$0x2]  }
0x4: {  	s4 =	rddreg [dreg:$0x3]  }
0x5: {  	s5 =	simm.s32 $0x0;
	s11 =	stileid.u32;
	s1 =	srdreg.scid  }
0x6: {  	s28 =	simm.s32 $0x1680;
	s16 =	simm.s32 $0x1;
	s18 =	simm.s32 $0x780  }
0x7: {  	s19 =	simm.s32 $0x80;
	s30 =	simm.s32 $0x1180;
	s31 =	simm.s32 $0x300  }
0x8: {  	s17 =	simm.s32 $0x1280;
	s12 =	simm.s32 $0x1300;
	s13 =	simm.s32 $0x480  }
0x9: {  	s15 =	simm.s32 $0x580;
	s14 =	simm.s32 $0x1480;
	s21 =	simm.s32 $0x680  }
0xa: {  	s2 =	smul.u32 $0x1880, s11;
	s1 =	sand.u32 $0x1, s1;
	s3 =	sshll.u32 s11, $0x1  }
0xb: {  	[smem:$0x7FF] =	sst s5;
	p0 =	sgt.u32 s11, $0x9;
	s11 =	simm.s32 $0x400  }
0xc: {  	s3 =	sor.u32 s1, s3;
	_ =	strace $0x8000004A;
	s1 =	ssub.s32 $0x2, s1  }
0xd: {  	s6 =	sshrl.u32 s2, $0x3;
	s7 =	smul.u32 $0x186, s3;
	s3 =	smin.u32 s3, $0x14  }
0xe: {  	s22 =	sshrl.u32 s1, $0x1;
	s2 =	sadd.s32 s2, s4;
	s8 =	sadd.s32 s6, s0  }
0xf: {  	s6 =	sadd.s32 $0x7C00, s0;
	s0 =	ssub.s32 s1, s22;
	[dreg:$0x7] =	wrdreg s2  }
0x10: {  	s2 =	simm.s32 $0x1500;
	s22 =	simm.s32 $0x1580;
	s23 =	sadd.s32 $0x1A00, s8  }
0x11: {  	s7 =	sadd.s32 s3, s7;
	s25 =	sadd.s32 $0x4B00, s8;
	[dreg:$0x5] =	wrdreg s23  }
0x12: {  	s0 =	smax.u32 s0, $0x1;
	s3 =	simm.s32 $0x380;
	[dreg:$0x6] =	wrdreg s25  }
0x13: {  	s8 =	simm.s32 $0x1380;
	s24 =	sshll.u32 s7, $0x4;
	[dreg:$0xb] =	wrdreg s0  }
.Ltmp0:
0x14: {  	s0 =	simm.s32 $0x1200;
	s1 =	sadd.s32 $0x1860, s24;
	(pc) =	sbr.rel .LBB2_1-.Ltmp0, $4  }
0x15: {  	s23 =	simm.s32 $0x700;
	s25 =	simm.s32 $0x0;
	s26 =	sadd.s32 s10, s1  }
0x16: {  	s24 =	simm.s32 $0x1600;
	s29 =	sadd.s32 s9, s1;
	[dreg:$0x8] =	wrdreg s26  }
0x17: {  	s1 =	sadd.s32 s6, s1;
	s9 =	simm.s32 $0x500;
	[dreg:$0x9] =	wrdreg s29  }
0x18: {  	s10 =	simm.s32 $0x1400;
	[dreg:$0xa] =	wrdreg s1;
	s1 =	simm.s32 $0x600  }
.LBB2_9:
0x19: {  	s25 =	sadd.s32 $0x1, s25;
	s20 =	rddreg [dreg:$0xb]  }
0x1a: {  	p1 =	sne.s32 s25, s20  }
.Ltmp1:
0x1b: {  	_ = 	snop;
	(pc) =	sbr.rel @!p1 .LBB2_10-.Ltmp1, $2  }
0x1c: {  	_ =	sdelay $0x2  }
0x1d: {  	s28 =	simm.s32 $0x1680  }
.LBB2_1:
0x1e: {  	[dreg:$0xc] =	wrdreg s25  }
0x1f: {  	s20 =	rddreg [dreg:$0x5]  }
0x20: {  	[tilespmem:s28], [sflag:$0x1] =	stream.linear.gather [hbm4b:s20+s5], $0x1880, $0x38;
	[tilespmem:$0x6000] =	vst v63  }
0x21: {  	_ =	swait.ge [sflag:s16], $0x1880  }
0x22: {  	[sflag:s16] =	ssyncset.done $0x0  }
0x23: {  	s29 =	simm.s32 $0x2F00;
	s26 =	rddreg [dreg:$0x6];
	[sflag:s16] =	ssyncadd.s32 $0xFFFFE780  }
0x24: {  	[tilespmem:s29], [sflag:$0x1] =	stream.linear.gather [hbm4b:s26+s5], $0x1880, $0x38;
	[tilespmem:$0x6000] =	vst v63  }
0x25: {  	_ =	swait.ge [sflag:s16], $0x1880  }
0x26: {  	[sflag:s16] =	ssyncset.done $0x0  }
0x27: {  	s20 =	simm.s32 $0x0;
	[sflag:s16] =	ssyncadd.s32 $0xFFFFE780  }
0x28: {  	s25 =	simm.s32 $0x40;
	v0 =	vld [tilespmem:s20+$0x2F00]  }
.LBB2_2:
0x29: {  	p1 =	sne.s32 s25, $0x61C0;
	v1 =	vld [tilespmem:s20+$0x1680];
	_ =	sdelay $0x4  }
.Ltmp2:
0x2a: {  	v0 =	vadd.f32 v0, v1;
	(pc) =	sbr.rel @p1 .LBB2_2-.Ltmp2, $4  }
0x2b: {  	_ = 	snop  }
0x2c: {  	v1 =	vadd.f32 $9.999999970e-07, v0  }
0x2d: {  	s26 =	sshra.s32 s25, $0x2  }
0x2e: {  	s25 =	sadd.s32 $0x40, s25;
	v0 =	vld [tilespmem:s26+$0x2F00];
	[tilespmem:s20+$0x1680] =	vst v1;
	s20 =	smov.u32 s26  }
0x2f: {  	v1 =	vld [tilespmem:s20+$0x1680];
	_ =	sdelay $0x4  }
0x30: {  	v0 =	vadd.f32 v0, v1;
	_ =	sdelay $0x1  }
0x31: {  	v0 =	vadd.f32 $9.999999970e-07, v0;
	_ =	sdelay $0x1  }
0x32: {  	s29 =	rddreg [dreg:$0x7];
	[tilespmem:s20+$0x1680] =	vst v0  }
0x33: {  	[spmem:s29] =	stream.linear.scatter [tilespmem:s28], [sflag:$0x1], $0x1880, $0x38;
	[tilespmem:$0x6000] =	vst v63  }
0x34: {  	_ =	swait.ge [sflag:s16], $0x1880  }
0x35: {  	[sflag:s16] =	ssyncset.done $0x0  }
0x36: {  	[sflag:s16] =	ssyncadd.s32 $0xFFFFE780  }
0x37: {  	s25 =	simm.s32 $0x0;
	s20 =	simm.s32 $0x0;
	[bflag:$0x0] =	sbarrier.arrive $0xFFFF  }
.LBB2_4:
0x38: {  	s26 =	smul.u32 $0xF, s20;
	_ =	sdelay $0x1  }
0x39: {  	s26 =	sadd.s32 s7, s26  }
0x3a: {  	s26 =	sshll.u32 s26, $0x4  }
0x3b: {  	s28 =	rddreg [dreg:$0x1];
	s26 =	sand.u32 $0x1FFFFFF0, s26  }
0x3c: {  	s28 =	sadd.s32 s28, s26  }
0x3d: {  	[tilespmem:s25], [sflag:$0x1] =	stream.linear.gather [hbm4b:s28+s25], $0x780, $0x38;
	[tilespmem:$0x6000] =	vst v63  }
0x3e: {  	_ =	swait.ge [sflag:s16], $0x780  }
0x3f: {  	[sflag:s16] =	ssyncset.done $0x0  }
0x40: {  	[sflag:s16] =	ssyncadd.s32 $0xFFFFF880  }
0x41: {  	s28 =	rddreg [dreg:$0x0]  }
0x42: {  	s28 =	sadd.s32 s28, s26  }
0x43: {  	[tilespmem:s18], [sflag:$0x1] =	stream.linear.gather [hbm4b:s28+s25], $0x780, $0x38;
	[tilespmem:$0x6000] =	vst v63  }
0x44: {  	_ =	swait.ge [sflag:s16], $0x780  }
0x45: {  	[sflag:s16] =	ssyncset.done $0x0  }
0x46: {  	s28 =	simm.s32 $0xF00;
	[sflag:s16] =	ssyncadd.s32 $0xFFFFF880  }
0x47: {  	[tilespmem:s28], [sflag:$0x1] =	stream.indirect.gather [spmem:s4], $0x1, s25, s19, $0xb8;
	[tilespmem:$0x6000] =	vst v63  }
0x48: {  	_ =	swait.ge [sflag:s16], $0x80  }
0x49: {  	[sflag:s16] =	ssyncset.done $0x0  }
0x4a: {  	s28 =	simm.s32 $0xF80;
	[sflag:s16] =	ssyncadd.s32 $0xFFFFFF80  }
0x4b: {  	[tilespmem:s28], [sflag:$0x1] =	stream.indirect.gather [spmem:s4], $0x1, s19, s19, $0xb8;
	[tilespmem:$0x6000] =	vst v63  }
0x4c: {  	_ =	swait.ge [sflag:s16], $0x80  }
0x4d: {  	[sflag:s16] =	ssyncset.done $0x0  }
0x4e: {  	s29 =	simm.s32 $0x1000;
	s28 =	simm.s32 $0x100;
	[sflag:s16] =	ssyncadd.s32 $0xFFFFFF80  }
0x4f: {  	[tilespmem:s29], [sflag:$0x1] =	stream.indirect.gather [spmem:s4], $0x1, s28, s19, $0xb8;
	[tilespmem:$0x6000] =	vst v63  }
0x50: {  	_ =	swait.ge [sflag:s16], $0x80  }
0x51: {  	[sflag:s16] =	ssyncset.done $0x0  }
0x52: {  	s28 =	simm.s32 $0x180;
	s29 =	simm.s32 $0x1080;
	[sflag:s16] =	ssyncadd.s32 $0xFFFFFF80  }
0x53: {  	[tilespmem:s29], [sflag:$0x1] =	stream.indirect.gather [spmem:s4], $0x1, s28, s19, $0xb8;
	[tilespmem:$0x6000] =	vst v63  }
0x54: {  	_ =	swait.ge [sflag:s16], $0x80  }
0x55: {  	[sflag:s16] =	ssyncset.done $0x0  }
0x56: {  	s28 =	simm.s32 $0x200;
	s29 =	simm.s32 $0x1100;
	[sflag:s16] =	ssyncadd.s32 $0xFFFFFF80  }
0x57: {  	[tilespmem:s29], [sflag:$0x1] =	stream.indirect.gather [spmem:s4], $0x1, s28, s19, $0xb8;
	[tilespmem:$0x6000] =	vst v63  }
0x58: {  	_ =	swait.ge [sflag:s16], $0x80  }
0x59: {  	[sflag:s16] =	ssyncset.done $0x0  }
0x5a: {  	s28 =	simm.s32 $0x280;
	[sflag:s16] =	ssyncadd.s32 $0xFFFFFF80  }
0x5b: {  	[tilespmem:s30], [sflag:$0x1] =	stream.indirect.gather [spmem:s4], $0x1, s28, s19, $0xb8;
	[tilespmem:$0x6000] =	vst v63  }
0x5c: {  	_ =	swait.ge [sflag:s16], $0x80  }
0x5d: {  	[sflag:s16] =	ssyncset.done $0x0  }
0x5e: {  	[sflag:s16] =	ssyncadd.s32 $0xFFFFFF80  }
0x5f: {  	[tilespmem:s0], [sflag:$0x1] =	stream.indirect.gather [spmem:s4], $0x1, s31, s19, $0xb8;
	[tilespmem:$0x6000] =	vst v63  }
0x60: {  	_ =	swait.ge [sflag:s16], $0x80  }
0x61: {  	[sflag:s16] =	ssyncset.done $0x0  }
0x62: {  	[sflag:s16] =	ssyncadd.s32 $0xFFFFFF80  }
0x63: {  	[tilespmem:s17], [sflag:$0x1] =	stream.indirect.gather [spmem:s4], $0x1, s3, s19, $0xb8;
	[tilespmem:$0x6000] =	vst v63  }
0x64: {  	_ =	swait.ge [sflag:s16], $0x80  }
0x65: {  	[sflag:s16] =	ssyncset.done $0x0  }
0x66: {  	[sflag:s16] =	ssyncadd.s32 $0xFFFFFF80  }
0x67: {  	[tilespmem:s12], [sflag:$0x1] =	stream.indirect.gather [spmem:s4], $0x1, s11, s19, $0xb8;
	[tilespmem:$0x6000] =	vst v63  }
0x68: {  	_ =	swait.ge [sflag:s16], $0x80  }
0x69: {  	[sflag:s16] =	ssyncset.done $0x0  }
0x6a: {  	[sflag:s16] =	ssyncadd.s32 $0xFFFFFF80  }
0x6b: {  	[tilespmem:s8], [sflag:$0x1] =	stream.indirect.gather [spmem:s4], $0x1, s13, s19, $0xb8;
	[tilespmem:$0x6000] =	vst v63  }
0x6c: {  	_ =	swait.ge [sflag:s16], $0x80  }
0x6d: {  	[sflag:s16] =	ssyncset.done $0x0  }
0x6e: {  	[sflag:s16] =	ssyncadd.s32 $0xFFFFFF80  }
0x6f: {  	[tilespmem:s10], [sflag:$0x1] =	stream.indirect.gather [spmem:s4], $0x1, s9, s19, $0xb8;
	[tilespmem:$0x6000] =	vst v63  }
0x70: {  	_ =	swait.ge [sflag:s16], $0x80  }
0x71: {  	[sflag:s16] =	ssyncset.done $0x0  }
0x72: {  	[sflag:s16] =	ssyncadd.s32 $0xFFFFFF80  }
0x73: {  	[tilespmem:s14], [sflag:$0x1] =	stream.indirect.gather [spmem:s4], $0x1, s15, s19, $0xb8;
	[tilespmem:$0x6000] =	vst v63  }
0x74: {  	_ =	swait.ge [sflag:s16], $0x80  }
0x75: {  	[sflag:s16] =	ssyncset.done $0x0  }
0x76: {  	[sflag:s16] =	ssyncadd.s32 $0xFFFFFF80  }
0x77: {  	[tilespmem:s2], [sflag:$0x1] =	stream.indirect.gather [spmem:s4], $0x1, s1, s19, $0xb8;
	[tilespmem:$0x6000] =	vst v63  }
0x78: {  	_ =	swait.ge [sflag:s16], $0x80  }
0x79: {  	[sflag:s16] =	ssyncset.done $0x0  }
0x7a: {  	[sflag:s16] =	ssyncadd.s32 $0xFFFFFF80  }
0x7b: {  	[tilespmem:s22], [sflag:$0x1] =	stream.indirect.gather [spmem:s4], $0x1, s21, s19, $0xb8;
	[tilespmem:$0x6000] =	vst v63  }
0x7c: {  	_ =	swait.ge [sflag:s16], $0x80  }
0x7d: {  	[sflag:s16] =	ssyncset.done $0x0  }
0x7e: {  	[sflag:s16] =	ssyncadd.s32 $0xFFFFFF80  }
0x7f: {  	[tilespmem:s24], [sflag:$0x1] =	stream.indirect.gather [spmem:s4], $0x1, s23, s19, $0xb8;
	[tilespmem:$0x6000] =	vst v63  }
0x80: {  	_ =	swait.ge [sflag:s16], $0x80  }
0x81: {  	[sflag:s16] =	ssyncset.done $0x0  }
0x82: {  	s29 =	simm.s32 $0x40;
	s28 =	simm.s32 $0x0;
	[sflag:s16] =	ssyncadd.s32 $0xFFFFFF80  }
.LBB2_5:
0x83: {  	p1 =	sne.s32 s29, $0x1DC0;
	v0 =	vld [tilespmem:s28+$0x780]  }
0x84: {  	v1 =	vld [tilespmem:s28+$0xF00];
	_ =	sdelay $0x3  }
0x85: {  	v0 =	vmul.f32 $1.442695020e+00, v0  }
0x86: {  	(erf) = vrcp.f32 v1  }
0x87: {  	(erf) = vpow2.f32 v0;
	_ =	sdelay $0x7  }
0x88: {  	v0 =	vpop (erf)  }
0x89: {  	v1 =	vpop (erf)  }
.Ltmp3:
0x8a: {  	v0 =	vmul.f32 v0, v1;
	(pc) =	sbr.rel @p1 .LBB2_5-.Ltmp3, $4  }
0x8b: {  	_ = 	snop  }
0x8c: {  	v0 =	vmax.f32 v0, $9.999999970e-07  }
0x8d: {  	v0 =	vmin.f32 v0, $9.999989860e-01  }
0x8e: {  	[tilespmem:s28+$0x780] =	vst v0;
	s28 =	sshra.s32 s29, $0x2;
	s29 =	sadd.s32 $0x40, s29  }
0x8f: {  	v0 =	vld [tilespmem:s28+$0x780]  }
0x90: {  	v1 =	vld [tilespmem:s28+$0xF00];
	_ =	sdelay $0x3  }
0x91: {  	v0 =	vmul.f32 $1.442695020e+00, v0  }
0x92: {  	(erf) = vrcp.f32 v1  }
0x93: {  	(erf) = vpow2.f32 v0;
	_ =	sdelay $0x7  }
0x94: {  	v62 =	vpop (erf)  }
0x95: {  	v63 =	vpop (erf)  }
0x96: {  	v0 =	vmul.f32 v62, v63;
	_ =	sdelay $0x1  }
0x97: {  	s20 =	sadd.s32 $0x1, s20;
	v0 =	vmax.f32 v0, $9.999999970e-07  }
0x98: {  	p1 =	sne.s32 s20, $0x1A;
	v0 =	vmin.f32 v0, $9.999989860e-01  }
.Ltmp4:
0x99: {  	s26 =	sadd.s32 s6, s26;
	[tilespmem:s28+$0x780] =	vst v0;
	(pc) =	sbr.rel @p1 .LBB2_4-.Ltmp4, $4  }
0x9a: {  	[hbm4b:s26+s5] =	stream.linear.scatter [tilespmem:s18], [sflag:$0x1], $0x780, $0x38;
	[tilespmem:$0x6000] =	vst v63  }
0x9b: {  	_ =	swait.ge [sflag:s16], $0x780  }
0x9c: {  	[sflag:s16] =	ssyncset.done $0x0  }
0x9d: {  	[sflag:s16] =	ssyncadd.s32 $0xFFFFF880  }
.Ltmp5:
0x9e: {  	(pc) =	sbr.rel @p0 .LBB2_9-.Ltmp5, $2  }
0x9f: {  	_ =	sdelay $0x2  }
0xa0: {  	s25 =	rddreg [dreg:$0xc]  }
0xa1: {  	s20 =	rddreg [dreg:$0x8]  }
0xa2: {  	[tilespmem:s5], [sflag:$0x1] =	stream.linear.gather [hbm4b:s20+s5], $0x80, $0x38;
	[tilespmem:$0x6000] =	vst v63  }
0xa3: {  	_ =	swait.ge [sflag:s16], $0x80  }
0xa4: {  	[sflag:s16] =	ssyncset.done $0x0  }
0xa5: {  	s26 =	rddreg [dreg:$0x9];
	[sflag:s16] =	ssyncadd.s32 $0xFFFFFF80  }
0xa6: {  	[tilespmem:s18], [sflag:$0x1] =	stream.linear.gather [hbm4b:s26+s5], $0x80, $0x38;
	[tilespmem:$0x6000] =	vst v63  }
0xa7: {  	_ =	swait.ge [sflag:s16], $0x80  }
0xa8: {  	[sflag:s16] =	ssyncset.done $0x0  }
0xa9: {  	s28 =	simm.s32 $0xF00;
	[sflag:s16] =	ssyncadd.s32 $0xFFFFFF80  }
0xaa: {  	[tilespmem:s28], [sflag:$0x1] =	stream.indirect.gather [spmem:s4], $0x1, s5, s19, $0xb8;
	[tilespmem:$0x6000] =	vst v63  }
0xab: {  	_ =	swait.ge [sflag:s16], $0x80  }
0xac: {  	[sflag:s16] =	ssyncset.done $0x0  }
0xad: {  	[sflag:s16] =	ssyncadd.s32 $0xFFFFFF80  }
0xae: {  	v0 =	vld [tilespmem:$0x780];
	_ =	sdelay $0x1  }
0xaf: {  	v1 =	vld [tilespmem:$0x790]  }
0xb0: {  	v2 =	vld [tilespmem:$0xF00]  }
0xb1: {  	v3 =	vld [tilespmem:$0x7A0]  }
0xb2: {  	v4 =	vld [tilespmem:$0xF10];
	v0 =	vmul.f32 $1.442695020e+00, v0  }
0xb3: {  	v5 =	vld [tilespmem:$0x7B0]  }
0xb4: {  	v32 =	vld [tilespmem:$0xF20];
	v31 =	vmul.f32 $1.442695020e+00, v1;
	(erf) = vpow2.f32 v0  }
0xb5: {  	v33 =	vld [tilespmem:$0x7C0];
	(erf) = vrcp.f32 v2  }
0xb6: {  	v35 =	vld [tilespmem:$0xF30];
	v34 =	vmul.f32 $1.442695020e+00, v3;
	(erf) = vpow2.f32 v31  }
0xb7: {  	v36 =	vld [tilespmem:$0x7D0];
	(erf) = vrcp.f32 v4  }
0xb8: {  	v38 =	vld [tilespmem:$0xF40];
	v37 =	vmul.f32 $1.442695020e+00, v5;
	(erf) = vpow2.f32 v34  }
0xb9: {  	v39 =	vld [tilespmem:$0x7E0];
	(erf) = vrcp.f32 v32  }
0xba: {  	v41 =	vld [tilespmem:$0xF50];
	v40 =	vmul.f32 $1.442695020e+00, v33;
	(erf) = vpow2.f32 v37  }
0xbb: {  	v42 =	vld [tilespmem:$0x7F0];
	(erf) = vrcp.f32 v35  }
0xbc: {  	v44 =	vld [tilespmem:$0xF60];
	v43 =	vmul.f32 $1.442695020e+00, v36;
	(erf) = vpow2.f32 v40  }
0xbd: {  	v6 =	vpop (erf);
	(erf) = vrcp.f32 v38  }
0xbe: {  	v47 =	vld [tilespmem:$0xF70];
	v46 =	vmul.f32 $1.442695020e+00, v39;
	v45 =	vpop (erf);
	(erf) = vpow2.f32 v43  }
0xbf: {  	v7 =	vpop (erf);
	(erf) = vrcp.f32 v41  }
0xc0: {  	v49 =	vmul.f32 $1.442695020e+00, v42;
	v48 =	vpop (erf);
	(erf) = vpow2.f32 v46  }
0xc1: {  	v50 =	vpop (erf);
	(erf) = vrcp.f32 v44  }
0xc2: {  	v51 =	vpop (erf);
	(erf) = vpow2.f32 v49  }
0xc3: {  	v52 =	vpop (erf);
	(erf) = vrcp.f32 v47  }
0xc4: {  	v53 =	vpop (erf)  }
0xc5: {  	v8 =	vpop (erf)  }
0xc6: {  	v5 =	vmul.f32 v45, v6;
	v9 =	vpop (erf)  }
0xc7: {  	v2 =	vmul.f32 v48, v7;
	v54 =	vpop (erf)  }
0xc8: {  	v5 =	vmax.f32 v5, $9.999999970e-07;
	v3 =	vmul.f32 v51, v50;
	v55 =	vpop (erf)  }
0xc9: {  	v5 =	vmin.f32 v5, $9.999989860e-01;
	v2 =	vmax.f32 v2, $9.999999970e-07;
	v0 =	vmul.f32 v53, v52;
	v56 =	vpop (erf)  }
0xca: {  	[tilespmem:$0x780] =	vst v5;
	v2 =	vmin.f32 v2, $9.999989860e-01;
	v3 =	vmax.f32 v3, $9.999999970e-07;
	v58 =	vmul.f32 v9, v8;
	v57 =	vpop (erf)  }
0xcb: {  	[tilespmem:$0x790] =	vst v2;
	v3 =	vmin.f32 v3, $9.999989860e-01;
	v0 =	vmax.f32 v0, $9.999999970e-07;
	v60 =	vmul.f32 v55, v54;
	v59 =	vpop (erf)  }
0xcc: {  	[tilespmem:$0x7A0] =	vst v3;
	v0 =	vmin.f32 v0, $9.999989860e-01;
	v61 =	vmax.f32 v58, $9.999999970e-07;
	v1 =	vmul.f32 v57, v56;
	v62 =	vpop (erf)  }
0xcd: {  	[tilespmem:$0x7B0] =	vst v0;
	v3 =	vmin.f32 v61, $9.999989860e-01;
	v2 =	vmax.f32 v60, $9.999999970e-07;
	v63 =	vmul.f32 v62, v59  }
0xce: {  	[tilespmem:$0x7C0] =	vst v3;
	v2 =	vmin.f32 v2, $9.999989860e-01;
	v1 =	vmax.f32 v1, $9.999999970e-07  }
0xcf: {  	[tilespmem:$0x7D0] =	vst v2;
	v1 =	vmin.f32 v1, $9.999989860e-01;
	v0 =	vmax.f32 v63, $9.999999970e-07  }
0xd0: {  	[tilespmem:$0x7E0] =	vst v1;
	v0 =	vmin.f32 v0, $9.999989860e-01  }
.Ltmp6:
0xd1: {  	s29 =	rddreg [dreg:$0xa];
	[tilespmem:$0x7F0] =	vst v0;
	(pc) =	sbr.rel .LBB2_9-.Ltmp6, $4  }
0xd2: {  	[hbm4b:s29+s5] =	stream.linear.scatter [tilespmem:s18], [sflag:$0x1], $0x80, $0x38;
	[tilespmem:$0x6000] =	vst v63  }
0xd3: {  	_ =	swait.ge [sflag:s16], $0x80  }
0xd4: {  	[sflag:s16] =	ssyncset.done $0x0  }
0xd5: {  	[sflag:s16] =	ssyncadd.s32 $0xFFFFFF80  }
.LBB2_10:
0xd6: {  	_ =	sfence.sel $0x180000  }
0xd7: {  	[bflag:$0x0] =	sbarrier.arrive $0xFFFF  }
0xd8: {  	_ =	strace $0x9000004A  }
0xd9: {  	s0 =	stileid.u32;
	[bflag:$0x2] =	sbarrier.arrive $0xFFFF  }
0xda: {  	p0 =	sne.s32 s0, $0x0;
	s0 =	rddreg [dreg:$0x4]  }
0xdb: {  	s0 =	sadd.s32 @!p0 $0x100000, s0  }
0xdc: {  	[sflag:s0] =	ssyncadd.tile.s32 @!p0 $0x1;
	_ =	shalt  }
.Lfunc_end2:
_tile_overlayer_lowered:
.L_overlay_start_2:
0xdd: {  	(tag) =	ssettag $0x2  }
0xde: {  	s0 =	rddreg [dreg:$0x0];
	s2 =	stileid.u32  }
0xdf: {  	s1 =	rddreg [dreg:$0x1];
	p0 =	sne.s32 s2, $0x0  }
0xe0: {  	s3 =	rddreg [dreg:$0x2];
	[bflag:$0x3] =	sbarrier.arrive $0xFFFF;
	s2 =	simm.s32 @!p0 $0x1C01  }
0xe1: {  	[timem:s3], [sflag:s2] =	dma.local @!p0 [hbm:s0], s1  }
0xe2: {  	s0 =	simm.s32 @!p0 $0x1  }
0xe3: {  	_ =	swait.ge @!p0 [sflag:s0], s1  }
0xe4: {  	s1 =	ssub.s32 @!p0 $0x0, s1;
	[sflag:s0] =	ssyncset.done @!p0 $0x0  }
0xe5: {  	[sflag:s0] =	ssyncadd.s32 @!p0 s1  }
0xe6: {  	[bflag:$0x3] =	sbarrier.arrive $0xFFFF  }
0xe7: {  	_ =	shalt  }

// kernel: kernel.13.cloned.1.call-start
scs
__scs_entry_jumppad:
0x0: {  	(pc) =	sbr.rel $0x88, $3  }
0x1: {  	(tag) =	ssettag $0x0;
	lr =	simm.s32 $0x1  }
0x2: {  	[smem:$0x3F95] =	sst lr;
	_ =	strace $0xD0000000  }
0x3: {  	_ = 	snop  }
0x4: {  	_ = 	snop  }
0x5: {  	_ = 	snop  }
0x6: {  	_ = 	snop  }
0x7: {  	_ = 	snop  }
__scs_overlays_trampoline_lowered:
0x8: {  	[smem:$0x3FA4] =	sst s0  }
0x9: {  	[smem:$0x3FA5] =	sst s1  }
0xa: {  	[smem:$0x3FA6] =	sst s2  }
0xb: {  	[smem:$0x3FA7] =	sst s3  }
0xc: {  	[smem:$0x3FA8] =	sst s4  }
0xd: {  	[smem:$0x3FA9] =	sst s5  }
0xe: {  	[smem:$0x3FAA] =	sst s6  }
0xf: {  	[smem:$0x3FAB] =	sst s7  }
0x10: {  	[smem:$0x3FAC] =	sst s8  }
0x11: {  	[smem:$0x3FAD] =	sst s9;
	s0 =	simm.s32 @!p0 $0x0  }
0x12: {  	s1 =	sld [smem:$0x3F93];
	s0 =	simm.s32 @p0 $0x1  }
0x13: {  	[smem:$0x3FAE] =	sst s0;
	s0 =	simm.s32 @!p1 $0x0  }
0x14: {  	s2 =	sld [smem:$0x3F92];
	s0 =	simm.s32 @p1 $0x1  }
0x15: {  	[smem:$0x3FAF] =	sst s0;
	s0 =	simm.s32 @!p2 $0x0  }
0x16: {  	s3 =	sld [smem:$0x3FDB];
	s0 =	simm.s32 @p2 $0x1  }
0x17: {  	s4 =	simm.s32 $0x1BF5;
	[smem:$0x3FB1] =	sst s0  }
0x18: {  	s0 =	sld [smem:$0x3F94];
	_ =	swait.ge [sflag:s4], $0x0  }
0x19: {  	s7 =	sld [smem:$0x3F95]  }
0x1a: {  	s8 =	sadd.s32 $0xFFFFE003, lr  }
0x1b: {  	s9 =	sadd.s32 $0xFFFFFEF7, lr;
	s5 =	simm.s32 $0xFFFFFFFF;
	p2 =	slt.u32 s8, $0xFFFFF086  }
0x1c: {  	p1 =	slt.u32 s9, $0xF7A;
	s5 =	simm.s32 @!p2 $0x0  }
0x1d: {  	s5 =	simm.s32 @p1 $0x1;
	p0 =	seq.s32 s7, s2  }
0x1e: {  	s7 =	smul.u32 @!p0 $0xF7A, s2;
	p2 =	seq.s32 @!p0 s5, $0x0  }
0x1f: {  	s9 =	smul.u32 $0xF7A, s1;
	s8 =	simm.s32 @!p0 $0x1BF5;
	p2 =	por !p2, p0  }
0x20: {  	[sflag:s8] =	ssyncset.s32 @!p0 $0xFFFFF086;
	s6 =	sadd.s32 @!p0 s3, s7;
	s7 =	simm.s32 @!p0 $0x108  }
0x21: {  	s3 =	sadd.s32 s3, s9;
	s6 =	sadd.s32 @!p0 $0x88, s6;
	s7 =	simm.s32 @p2 $0x1082  }
0x22: {  	[simem:s7], [sflag:s8] =	dma.local @!p0 [hbm:s6], $0xF7A  }
0x23: {  	s9 =	sor.u32 $0xD0000000, s2;
	s6 =	simm.s32 $0x108;
	_ =	swait.ge @!p0 [sflag:s8], $0x0  }
0x24: {  	s3 =	sadd.s32 $0x88, s3;
	s6 =	simm.s32 @!p1 $0x1082;
	[sflag:s4] =	ssyncset.s32 $0xFFFFF086  }
0x25: {  	[simem:s6], [sflag:s4] =	dma.local [hbm:s3], $0xF7A  }
0x26: {  	[smem:$0x3F95] =	sst s1;
	(tag) =	ssettag s2;
	_ =	strace s9  }
0x27: {  	s1 =	sld [smem:$0x3FA5]  }
0x28: {  	s2 =	sld [smem:$0x3FA6]  }
0x29: {  	s4 =	sld [smem:$0x3FA8]  }
0x2a: {  	p0 =	seq.s32 s5, $0x0;
	s5 =	sld [smem:$0x3FA9]  }
0x2b: {  	s6 =	sld [smem:$0x3FAA]  }
0x2c: {  	s7 =	sld [smem:$0x3FAB]  }
0x2d: {  	s3 =	simm.s32 $0x108;
	s8 =	sld [smem:$0x3FAC]  }
0x2e: {  	s3 =	simm.s32 @!p0 $0x1082;
	s9 =	sld [smem:$0x3FAD]  }
0x2f: {  	lr =	sadd.s32 s0, s3;
	s0 =	sld [smem:$0x3FA4]  }
0x30: {  	s3 =	sld [smem:$0x3FA7]  }
0x31: {  	[smem:$0x3FB0] =	sst s10  }
0x32: {  	s10 =	sld [smem:$0x3FAE];
	_ =	sdelay $0x3  }
0x33: {  	p0 =	seq.s32 s10, $0x1;
	s10 =	sld [smem:$0x3FB0];
	_ =	sdelay $0x3  }
0x34: {  	[smem:$0x3FB0] =	sst s10  }
0x35: {  	s10 =	sld [smem:$0x3FAF];
	_ =	sdelay $0x3  }
0x36: {  	p1 =	seq.s32 s10, $0x1;
	s10 =	sld [smem:$0x3FB0];
	_ =	sdelay $0x3  }
0x37: {  	[smem:$0x3FB0] =	sst s10  }
0x38: {  	s10 =	sld [smem:$0x3FB1]  }
0x39: {  	_ = 	snop;
	(pc) =	sbr.ind lr, $3  }
0x3a: {  	_ = 	snop  }
0x3b: {  	_ = 	snop  }
0x3c: {  	p2 =	seq.s32 s10, $0x1;
	s10 =	sld [smem:$0x3FB0]  }
0x3d: {  	_ =	shalt  }
0x3e: {  	_ =	shalt  }
0x3f: {  	_ =	shalt  }
0x40: {  	_ =	shalt  }
0x41: {  	_ =	shalt  }
0x42: {  	_ =	shalt  }
0x43: {  	_ =	shalt  }
0x44: {  	_ =	shalt  }
0x45: {  	_ =	shalt  }
0x46: {  	_ =	shalt  }
0x47: {  	_ =	shalt  }
0x48: {  	_ =	shalt  }
0x49: {  	_ =	shalt  }
0x4a: {  	_ =	shalt  }
0x4b: {  	_ =	shalt  }
0x4c: {  	_ =	shalt  }
0x4d: {  	_ =	shalt  }
0x4e: {  	_ =	shalt  }
0x4f: {  	_ =	shalt  }
0x50: {  	_ =	shalt  }
0x51: {  	_ =	shalt  }
0x52: {  	_ =	shalt  }
0x53: {  	_ =	shalt  }
0x54: {  	_ =	shalt  }
0x55: {  	_ =	shalt  }
0x56: {  	_ =	shalt  }
0x57: {  	_ =	shalt  }
0x58: {  	_ =	shalt  }
0x59: {  	_ =	shalt  }
0x5a: {  	_ =	shalt  }
0x5b: {  	_ =	shalt  }
0x5c: {  	_ =	shalt  }
0x5d: {  	_ =	shalt  }
0x5e: {  	_ =	shalt  }
0x5f: {  	_ =	shalt  }
0x60: {  	_ =	shalt  }
0x61: {  	_ =	shalt  }
0x62: {  	_ =	shalt  }
0x63: {  	_ =	shalt  }
0x64: {  	_ =	shalt  }
0x65: {  	_ =	shalt  }
0x66: {  	_ =	shalt  }
0x67: {  	_ =	shalt  }
0x68: {  	_ =	shalt  }
0x69: {  	_ =	shalt  }
0x6a: {  	_ =	shalt  }
0x6b: {  	_ =	shalt  }
0x6c: {  	_ =	shalt  }
0x6d: {  	_ =	shalt  }
0x6e: {  	_ =	shalt  }
0x6f: {  	_ =	shalt  }
0x70: {  	_ =	shalt  }
0x71: {  	_ =	shalt  }
0x72: {  	_ =	shalt  }
0x73: {  	_ =	shalt  }
0x74: {  	_ =	shalt  }
0x75: {  	_ =	shalt  }
0x76: {  	_ =	shalt  }
0x77: {  	_ =	shalt  }
0x78: {  	_ =	shalt  }
0x79: {  	_ =	shalt  }
0x7a: {  	_ =	shalt  }
0x7b: {  	_ =	shalt  }
0x7c: {  	_ =	shalt  }
0x7d: {  	_ =	shalt  }
0x7e: {  	_ =	shalt  }
0x7f: {  	_ =	shalt  }
0x80: {  	_ =	shalt  }
0x81: {  	_ =	shalt  }
0x82: {  	_ =	shalt  }
0x83: {  	_ =	shalt  }
0x84: {  	_ =	shalt  }
0x85: {  	_ =	shalt  }
0x86: {  	_ =	shalt  }
0x87: {  	_ =	shalt  }
.Lfunc_end0:
.L_simem_size_0:
called_computation.2_lowered:
.L_overlay_start_0:
0x88: {  	s2 =	sld [smem:$0x3FD9]  }
0x89: {  	s3 =	sld [smem:$0x3FFE];
	_ =	sdelay $0x1  }
0x8a: {  	s1 =	srdreg.scid  }
0x8b: {  	s0 =	sand.u32 $0x1, s1  }
0x8c: {  	s17 =	sshll.u32 s0, $0xA;
	s2 =	sadd.s32 s3, s2  }
0x8d: {  	s2 =	sadd.s32 s2, s17  }
0x8e: {  	[smem:$0x3FBC] =	sst s2  }
0x8f: {  	_ = 	snop  }
0x90: {  	s2 =	sld [smem:$0x3FC8]  }
0x91: {  	s18 =	sld [smem:$0x3FC6]  }
0x92: {  	s4 =	sld [smem:$0x3FC5];
	(tm) =	ssettm $0x1  }
0x93: {  	s5 =	sld [smem:$0x3FFB];
	_ =	sdelay $0x3  }
0x94: {  	_ =	strace s5  }
0x95: {  	s5 =	sld [smem:$0x3FFC];
	_ =	sdelay $0x3  }
0x96: {  	_ =	strace s5  }
0x97: {  	s5 =	sld [smem:$0x3FFD];
	_ =	sdelay $0x3  }
0x98: {  	_ =	strace s5  }
0x99: {  	_ =	strace $0x8FFFFFFF  }
0x9a: {  	s19 =	sld [smem:$0x3FDB];
	_ =	sdelay $0x1  }
0x9b: {  	s6 =	simm.s32 $_scs_section_size  }
0x9c: {  	s7 =	simm.s32 $_size__tile_overlayer_lowered;
	s8 =	simm.s32 $_tile_overlayer_lowered  }
0x9d: {  	s22 =	simm.s32 $0x1BFF;
	s21 =	sshll.u32 s8, $0x1;
	s5 =	sadd.s32 s6, s19  }
0x9e: {  	s9 =	simm.s32 $0x0;
	s20 =	sshll.u32 s7, $0x1;
	s7 =	sadd.s32 s21, s5  }
0x9f: {  	[timem:s9], [sflag:s22] =	dma.local [hbm:s7], s20  }
0xa0: {  	_ =	swait.ge [sflag:s22], s20  }
0xa1: {  	s6 =	ssub.s32 $0x0, s20;
	[sflag:s22] =	ssyncset.done $0x0  }
0xa2: {  	[sflag:s22] =	ssyncadd.s32 s6;
	_ =	sdelay $0x1  }
0xa3: {  	s23 =	simm.s32 $0x1B8B  }
0xa4: {  	_ =	swait.ge [sflag:s23], $0x1  }
0xa5: {  	[sflag:s23] =	ssyncset.done $0x0  }
0xa6: {  	s25 =	simm.s32 $0x1B8E;
	s24 =	sld [smem:$0x3FFE];
	[sflag:s23] =	ssyncadd.s32 $0xFFFFFFFF  }
0xa7: {  	s26 =	simm.s32 $execute0_lowered;
	[smem:$0x3FD2] =	sst s25  }
0xa8: {  	s7 =	sshll.u32 s26, $0x1;
	_ =	strace $0x8000004C;
	[dreg:$0x1] =	wrdreg $0xFFFFFFFF  }
0xa9: {  	s28 =	simm.s32 $_size_execute0_lowered;
	s5 =	sadd.s32 s5, s7;
	[dreg:$0x0] =	wrdreg $0x0  }
0xaa: {  	s7 =	sshll.u32 s28, $0x1;
	[dreg:$0x2] =	wrdreg s5  }
0xab: {  	[dreg:$0x3] =	wrdreg s7  }
0xac: {  	[dreg:$0x4] =	wrdreg $0xC0  }
0xad: {  	_ =	task [dreg:s9], $0x5FFFF  }
0xae: {  	[dreg:$0x1] =	wrdreg $0xFFFFFFFF  }
0xaf: {  	[dreg:$0x0] =	wrdreg $0x60  }
0xb0: {  	[dreg:$0x2] =	wrdreg s2  }
0xb1: {  	[dreg:$0x3] =	wrdreg s18  }
0xb2: {  	[dreg:$0x4] =	wrdreg s4  }
0xb3: {  	[dreg:$0x5] =	wrdreg s24  }
0xb4: {  	[dreg:$0x6] =	wrdreg $0x1DA200  }
0xb5: {  	[dreg:$0x7] =	wrdreg $0x53800  }
0xb6: {  	[dreg:$0x8] =	wrdreg $0x9  }
0xb7: {  	_ =	task.clear_ibuf [dreg:s9], $0x9FFFF;
	_ =	strace $0x9000004C  }
0xb8: {  	s29 =	simm.s32 $0x9;
	_ =	strace $0x8000004E  }
0xb9: {  	_ =	swait.ge [sflag:s29], $0x1  }
0xba: {  	[sflag:s29] =	ssyncadd.s32 $0xFFFFFFFF  }
0xbb: {  	_ =	strace $0x9000004E  }
0xbc: {  	_ =	sfence  }
0xbd: {  	s30 =	sld [smem:$0x0];
	_ =	sdelay $0x2  }
0xbe: {  	s31 =	sshll.u32 s1, $0xD;
	s1 =	sshrl.u32 s1, $0x2  }
0xbf: {  	s3 =	sand.u32 $0x4000, s31;
	s1 =	sadd.s32 s1, s30  }
0xc0: {  	s0 =	sor.u32 s3, s0;
	s1 =	sshll.u32 s1, $0x11  }
0xc1: {  	s0 =	sor.u32 s1, s0  }
0xc2: {  	s0 =	sadd.s32 $0x8F2B, s0  }
0xc3: {  	[sflag:s0] =	ssyncadd.remote.s32 $0x1  }
0xc4: {  	_ =	sfence.sel $0xFFFF  }
0xc5: {  	[dreg:$0x0] =	wrdreg $0xFFFFFFFF;
	(pc) =	sbr.abs _section_cstart, $3  }
0xc6: {  	[dreg:$0x1] =	wrdreg $0xFFFFFFFF  }
0xc7: {  	_ =	task.clear_ibuf [dreg:s9], $0x2FFFF;
	_ =	strace $0x9FFFFFFF  }
0xc8: {  	(tm) =	ssettm $0x7FFFFFFF  }
0xc9: {  	_ =	shalt  }
tec
execute0_lowered:
.L_overlay_start_1:
0x0: {  	(tag) =	ssettag $0x1  }
0x1: {  	s1 =	rddreg [dreg:$0x0]  }
0x2: {  	s2 =	rddreg [dreg:$0x1]  }
0x3: {  	s0 =	srdreg.scid;
	s4 =	rddreg [dreg:$0x3]  }
0x4: {  	s22 =	stileid.u32;
	s6 =	simm.s32 $0x0;
	s13 =	rddreg [dreg:$0x2]  }
0x5: {  	s0 =	sand.u32 $0x1, s0;
	s3 =	smul.u32 $0x1880, s22;
	[smem:$0x7FF] =	sst s6  }
0x6: {  	s26 =	sadd.s32 $0x7C00, s4;
	s7 =	sshll.u32 s22, $0x1;
	s5 =	smul.u32 $0x18800, s0  }
0x7: {  	s8 =	ssub.s32 $0x2, s0;
	s0 =	sor.u32 s0, s7;
	s7 =	smul.u32 $0x186A0, s22  }
0x8: {  	p0 =	sgt.u32 s22, $0x7;
	s9 =	sshrl.u32 s8, $0x1;
	s10 =	smul.u32 $0x61A, s0  }
0x9: {  	s0 =	smin.u32 s0, $0x10;
	s5 =	sadd.s32 s3, s5;
	s8 =	ssub.s32 s8, s9  }
0xa: {  	s14 =	sshrl.u32 s7, $0x3;
	s9 =	sadd.s32 $0x2710, s7;
	s11 =	sadd.s32 $0x7530, s7  }
0xb: {  	s12 =	sadd.s32 $0x9C40, s7;
	s5 =	sshrl.u32 s5, $0x3;
	s15 =	sshrl.u32 s9, $0x3  }
0xc: {  	s5 =	sadd.s32 s5, s4;
	s4 =	sadd.s32 s0, s10;
	s0 =	sadd.s32 s26, s14  }
0xd: {  	s17 =	sshrl.u32 s11, $0x3;
	s10 =	sadd.s32 $0x4E20, s7;
	[dreg:$0x7] =	wrdreg s0  }
0xe: {  	s0 =	sadd.s32 s26, s15;
	s16 =	sshrl.u32 s10, $0x3;
	s15 =	rddreg [dreg:$0x4]  }
0xf: {  	s14 =	sadd.s32 $0xC350, s7;
	[dreg:$0x8] =	wrdreg s0;
	s0 =	sadd.s32 s26, s16  }
0x10: {  	s18 =	sshrl.u32 s12, $0x3;
	s19 =	sshrl.u32 s14, $0x3;
	[dreg:$0x9] =	wrdreg s0  }
0x11: {  	s16 =	sadd.s32 $0xEA60, s7;
	s0 =	sadd.s32 s26, s17;
	s17 =	rddreg [dreg:$0x5]  }
0x12: {  	s24 =	sshll.u32 s4, $0x4;
	s20 =	sshrl.u32 s16, $0x3;
	[dreg:$0xa] =	wrdreg s0  }
0x13: {  	s0 =	sadd.s32 s26, s18;
	s18 =	sadd.s32 $0x11170, s7;
	s28 =	sadd.s32 s10, s17  }
0x14: {  	s29 =	sadd.s32 s11, s17;
	s30 =	sadd.s32 s12, s17;
	s31 =	sadd.s32 s14, s17  }
0x15: {  	s16 =	sadd.s32 s16, s17;
	s10 =	simm.s32 $0x80;
	s11 =	simm.s32 $0x0  }
0x16: {  	[dreg:$0xb] =	wrdreg s0;
	s0 =	sadd.s32 s26, s19;
	s21 =	sshrl.u32 s18, $0x3  }
0x17: {  	[dreg:$0xc] =	wrdreg s0;
	s0 =	sadd.s32 s26, s20;
	s20 =	sadd.s32 $0x13880, s7  }
0x18: {  	[dreg:$0xd] =	wrdreg s0;
	s0 =	sadd.s32 s26, s21;
	s23 =	sshrl.u32 s20, $0x3  }
0x19: {  	s21 =	sadd.s32 $0x15F90, s7;
	[dreg:$0xe] =	wrdreg s0;
	s0 =	sadd.s32 s26, s23  }
0x1a: {  	s19 =	sshrl.u32 s21, $0x3;
	s23 =	sadd.s32 $0x1A00, s5;
	s5 =	sadd.s32 s21, s17  }
0x1b: {  	[dreg:$0xf] =	wrdreg s0;
	s6 =	sadd.s32 s26, s19;
	s0 =	sadd.s32 $0x61A0, s24  }
0x1c: {  	s19 =	sadd.s32 s3, s15;
	s24 =	smax.u32 s8, $0x1;
	s3 =	sadd.s32 s20, s17  }
0x1d: {  	s8 =	simm.s32 $0xB00;
	[dreg:$0x10] =	wrdreg s6;
	s25 =	sadd.s32 s2, s0  }
0x1e: {  	s26 =	sadd.s32 s13, s0;
	_ =	strace $0x8000004D;
	[dreg:$0x11] =	wrdreg s25  }
0x1f: {  	s0 =	sadd.s32 s1, s0;
	s6 =	simm.s32 $0x2C00;
	[dreg:$0x12] =	wrdreg s26  }
0x20: {  	[dreg:$0x13] =	wrdreg s0;
	s25 =	sadd.s32 s7, s17;
	s26 =	sadd.s32 s9, s17  }
0x21: {  	v0 =	vimm.f32 $0.0e+00;
	s0 =	sadd.s32 s18, s17;
	s7 =	simm.s32 $0x1;
	s9 =	simm.s32 $0x1600  }
.LBB2_1:
0x22: {  	s12 =	simm.s32 $0x40;
	s14 =	simm.s32 $0x0  }
.LBB2_2:
0x23: {  	p1 =	sne.s32 s12, $0x61C0;
	[tilespmem:s14+$0x2C00] =	vst v0;
	s14 =	smov.u32 s12;
	s12 =	sadd.s32 $0x40, s12  }
.Ltmp0:
0x24: {  	(pc) =	sbr.rel @p1 .LBB2_2-.Ltmp0, $2  }
0x25: {  	_ =	sdelay $0x2  }
0x26: {  	s14 =	sshra.s32 s14, $0x2  }
0x27: {  	[tilespmem:s14+$0x2C00] =	vst v0  }
0x28: {  	[spmem:s19] =	stream.linear.scatter [tilespmem:s6], [sflag:$0x1], $0x1880, $0x38;
	[tilespmem:$0x1F2A0] =	vst v63  }
0x29: {  	_ =	swait.ge [sflag:s7], $0x1880  }
0x2a: {  	[sflag:s7] =	ssyncset.done $0x0  }
0x2b: {  	s12 =	simm.s32 $0x0;
	s21 =	rddreg [dreg:$0x7];
	[sflag:s7] =	ssyncadd.s32 $0xFFFFE780  }
0x2c: {  	[tilespmem:s6], [sflag:$0x1] =	stream.linear.gather [hbm4b:s21+s12], $0x2710, $0x38;
	[tilespmem:$0x1F2A0] =	vst v63  }
0x2d: {  	_ =	swait.ge [sflag:s7], $0x2710  }
0x2e: {  	[sflag:s7] =	ssyncset.done $0x0  }
0x2f: {  	[sflag:s7] =	ssyncadd.s32 $0xFFFFD8F0  }
0x30: {  	[spmem:s25] =	stream.linear.scatter [tilespmem:s6], [sflag:$0x1], $0x2710, $0x38;
	[tilespmem:$0x1F2A0] =	vst v63  }
0x31: {  	_ =	swait.ge [sflag:s7], $0x2710  }
0x32: {  	[sflag:s7] =	ssyncset.done $0x0  }
0x33: {  	s22 =	rddreg [dreg:$0x8];
	[sflag:s7] =	ssyncadd.s32 $0xFFFFD8F0  }
0x34: {  	[tilespmem:s6], [sflag:$0x1] =	stream.linear.gather [hbm4b:s22+s12], $0x2710, $0x38;
	[tilespmem:$0x1F2A0] =	vst v63  }
0x35: {  	_ =	swait.ge [sflag:s7], $0x2710  }
0x36: {  	[sflag:s7] =	ssyncset.done $0x0  }
0x37: {  	[sflag:s7] =	ssyncadd.s32 $0xFFFFD8F0  }
0x38: {  	[spmem:s26] =	stream.linear.scatter [tilespmem:s6], [sflag:$0x1], $0x2710, $0x38;
	[tilespmem:$0x1F2A0] =	vst v63  }
0x39: {  	_ =	swait.ge [sflag:s7], $0x2710  }
0x3a: {  	[sflag:s7] =	ssyncset.done $0x0  }
0x3b: {  	s18 =	rddreg [dreg:$0x9];
	[sflag:s7] =	ssyncadd.s32 $0xFFFFD8F0  }
0x3c: {  	[tilespmem:s6], [sflag:$0x1] =	stream.linear.gather [hbm4b:s18+s12], $0x2710, $0x38;
	[tilespmem:$0x1F2A0] =	vst v63  }
0x3d: {  	_ =	swait.ge [sflag:s7], $0x2710  }
0x3e: {  	[sflag:s7] =	ssyncset.done $0x0  }
0x3f: {  	[sflag:s7] =	ssyncadd.s32 $0xFFFFD8F0  }
0x40: {  	[spmem:s28] =	stream.linear.scatter [tilespmem:s6], [sflag:$0x1], $0x2710, $0x38;
	[tilespmem:$0x1F2A0] =	vst v63  }
0x41: {  	_ =	swait.ge [sflag:s7], $0x2710  }
0x42: {  	[sflag:s7] =	ssyncset.done $0x0  }
0x43: {  	s20 =	rddreg [dreg:$0xa];
	[sflag:s7] =	ssyncadd.s32 $0xFFFFD8F0  }
0x44: {  	[tilespmem:s6], [sflag:$0x1] =	stream.linear.gather [hbm4b:s20+s12], $0x2710, $0x38;
	[tilespmem:$0x1F2A0] =	vst v63  }
0x45: {  	_ =	swait.ge [sflag:s7], $0x2710  }
0x46: {  	[sflag:s7] =	ssyncset.done $0x0  }
0x47: {  	[sflag:s7] =	ssyncadd.s32 $0xFFFFD8F0  }
0x48: {  	[spmem:s29] =	stream.linear.scatter [tilespmem:s6], [sflag:$0x1], $0x2710, $0x38;
	[tilespmem:$0x1F2A0] =	vst v63  }
0x49: {  	_ =	swait.ge [sflag:s7], $0x2710  }
0x4a: {  	[sflag:s7] =	ssyncset.done $0x0  }
0x4b: {  	s21 =	rddreg [dreg:$0xb];
	[sflag:s7] =	ssyncadd.s32 $0xFFFFD8F0  }
0x4c: {  	[tilespmem:s6], [sflag:$0x1] =	stream.linear.gather [hbm4b:s21+s12], $0x2710, $0x38;
	[tilespmem:$0x1F2A0] =	vst v63  }
0x4d: {  	_ =	swait.ge [sflag:s7], $0x2710  }
0x4e: {  	[sflag:s7] =	ssyncset.done $0x0  }
0x4f: {  	[sflag:s7] =	ssyncadd.s32 $0xFFFFD8F0  }
0x50: {  	[spmem:s30] =	stream.linear.scatter [tilespmem:s6], [sflag:$0x1], $0x2710, $0x38;
	[tilespmem:$0x1F2A0] =	vst v63  }
0x51: {  	_ =	swait.ge [sflag:s7], $0x2710  }
0x52: {  	[sflag:s7] =	ssyncset.done $0x0  }
0x53: {  	s22 =	rddreg [dreg:$0xc];
	[sflag:s7] =	ssyncadd.s32 $0xFFFFD8F0  }
0x54: {  	[tilespmem:s6], [sflag:$0x1] =	stream.linear.gather [hbm4b:s22+s12], $0x2710, $0x38;
	[tilespmem:$0x1F2A0] =	vst v63  }
0x55: {  	_ =	swait.ge [sflag:s7], $0x2710  }
0x56: {  	[sflag:s7] =	ssyncset.done $0x0  }
0x57: {  	[sflag:s7] =	ssyncadd.s32 $0xFFFFD8F0  }
0x58: {  	[spmem:s31] =	stream.linear.scatter [tilespmem:s6], [sflag:$0x1], $0x2710, $0x38;
	[tilespmem:$0x1F2A0] =	vst v63  }
0x59: {  	_ =	swait.ge [sflag:s7], $0x2710  }
0x5a: {  	[sflag:s7] =	ssyncset.done $0x0  }
0x5b: {  	s18 =	rddreg [dreg:$0xd];
	[sflag:s7] =	ssyncadd.s32 $0xFFFFD8F0  }
0x5c: {  	[tilespmem:s6], [sflag:$0x1] =	stream.linear.gather [hbm4b:s18+s12], $0x2710, $0x38;
	[tilespmem:$0x1F2A0] =	vst v63  }
0x5d: {  	_ =	swait.ge [sflag:s7], $0x2710  }
0x5e: {  	[sflag:s7] =	ssyncset.done $0x0  }
0x5f: {  	[sflag:s7] =	ssyncadd.s32 $0xFFFFD8F0  }
0x60: {  	[spmem:s16] =	stream.linear.scatter [tilespmem:s6], [sflag:$0x1], $0x2710, $0x38;
	[tilespmem:$0x1F2A0] =	vst v63  }
0x61: {  	_ =	swait.ge [sflag:s7], $0x2710  }
0x62: {  	[sflag:s7] =	ssyncset.done $0x0  }
0x63: {  	s20 =	rddreg [dreg:$0xe];
	[sflag:s7] =	ssyncadd.s32 $0xFFFFD8F0  }
0x64: {  	[tilespmem:s6], [sflag:$0x1] =	stream.linear.gather [hbm4b:s20+s12], $0x2710, $0x38;
	[tilespmem:$0x1F2A0] =	vst v63  }
0x65: {  	_ =	swait.ge [sflag:s7], $0x2710  }
0x66: {  	[sflag:s7] =	ssyncset.done $0x0  }
0x67: {  	[sflag:s7] =	ssyncadd.s32 $0xFFFFD8F0  }
0x68: {  	[spmem:s0] =	stream.linear.scatter [tilespmem:s6], [sflag:$0x1], $0x2710, $0x38;
	[tilespmem:$0x1F2A0] =	vst v63  }
0x69: {  	_ =	swait.ge [sflag:s7], $0x2710  }
0x6a: {  	[sflag:s7] =	ssyncset.done $0x0  }
0x6b: {  	s21 =	rddreg [dreg:$0xf];
	[sflag:s7] =	ssyncadd.s32 $0xFFFFD8F0  }
0x6c: {  	[tilespmem:s6], [sflag:$0x1] =	stream.linear.gather [hbm4b:s21+s12], $0x2710, $0x38;
	[tilespmem:$0x1F2A0] =	vst v63  }
0x6d: {  	_ =	swait.ge [sflag:s7], $0x2710  }
0x6e: {  	[sflag:s7] =	ssyncset.done $0x0  }
0x6f: {  	[sflag:s7] =	ssyncadd.s32 $0xFFFFD8F0  }
0x70: {  	[spmem:s3] =	stream.linear.scatter [tilespmem:s6], [sflag:$0x1], $0x2710, $0x38;
	[tilespmem:$0x1F2A0] =	vst v63  }
0x71: {  	_ =	swait.ge [sflag:s7], $0x2710  }
0x72: {  	[sflag:s7] =	ssyncset.done $0x0  }
0x73: {  	s22 =	rddreg [dreg:$0x10];
	[sflag:s7] =	ssyncadd.s32 $0xFFFFD8F0  }
0x74: {  	[tilespmem:s6], [sflag:$0x1] =	stream.linear.gather [hbm4b:s22+s12], $0x2710, $0x38;
	[tilespmem:$0x1F2A0] =	vst v63  }
0x75: {  	_ =	swait.ge [sflag:s7], $0x2710  }
0x76: {  	[sflag:s7] =	ssyncset.done $0x0  }
0x77: {  	[sflag:s7] =	ssyncadd.s32 $0xFFFFD8F0  }
0x78: {  	[spmem:s5] =	stream.linear.scatter [tilespmem:s6], [sflag:$0x1], $0x2710, $0x38;
	[tilespmem:$0x1F2A0] =	vst v63  }
0x79: {  	_ =	swait.ge [sflag:s7], $0x2710  }
0x7a: {  	[sflag:s7] =	ssyncset.done $0x0  }
0x7b: {  	[sflag:s7] =	ssyncadd.s32 $0xFFFFD8F0  }
0x7c: {  	s14 =	simm.s32 $0x0;
	[bflag:$0x0] =	sbarrier.arrive $0xFFFF  }
.LBB2_4:
0x7d: {  	s18 =	smul.u32 $0x16, s14;
	_ =	sdelay $0x1  }
0x7e: {  	s18 =	sadd.s32 s4, s18  }
0x7f: {  	s18 =	sshll.u32 s18, $0x4  }
0x80: {  	s18 =	sand.u32 $0x1FFFFFF0, s18  }
0x81: {  	s20 =	sadd.s32 s2, s18  }
0x82: {  	[tilespmem:s12], [sflag:$0x1] =	stream.linear.gather [hbm4b:s20+s12], $0xB00, $0x38;
	[tilespmem:$0x1F2A0] =	vst v63  }
0x83: {  	_ =	swait.ge [sflag:s7], $0xB00  }
0x84: {  	[sflag:s7] =	ssyncset.done $0x0  }
0x85: {  	s22 =	sadd.s32 s13, s18;
	[sflag:s7] =	ssyncadd.s32 $0xFFFFF500  }
0x86: {  	[tilespmem:s8], [sflag:$0x1] =	stream.linear.gather [hbm4b:s22+s12], $0xB00, $0x38;
	[tilespmem:$0x1F2A0] =	vst v63  }
0x87: {  	_ =	swait.ge [sflag:s7], $0xB00  }
0x88: {  	[sflag:s7] =	ssyncset.done $0x0  }
0x89: {  	s18 =	sadd.s32 s1, s18;
	[sflag:s7] =	ssyncadd.s32 $0xFFFFF500  }
0x8a: {  	[tilespmem:s9], [sflag:$0x1] =	stream.linear.gather [hbm4b:s18+s12], $0xB00, $0x38;
	[tilespmem:$0x1F2A0] =	vst v63  }
0x8b: {  	_ =	swait.ge [sflag:s7], $0xB00  }
0x8c: {  	[sflag:s7] =	ssyncset.done $0x0  }
0x8d: {  	s21 =	simm.s32 $0x2100;
	s22 =	simm.s32 $0xB00;
	[sflag:s7] =	ssyncadd.s32 $0xFFFFF500  }
0x8e: {  	[tilespmem:s21], [sflag:$0x1] =	stream.indirect.gather [spmem:s17], $0x1, s22, s10, $0xb8;
	[tilespmem:$0x1F2A0] =	vst v63  }
0x8f: {  	s18 =	simm.s32 $0x200;
	_ =	swait.ge [sflag:s7], $0x80  }
.LBB2_5:
0x90: {  	s20 =	sshra.s32 s18, $0x2  }
0x91: {  	[sflag:s7] =	ssyncset.done $0x0;
	p1 =	sne.s32 s18, $0x2A00;
	s21 =	sadd.s32 $0x2100, s20  }
.Ltmp1:
0x92: {  	s20 =	sadd.s32 $0xB00, s20;
	[sflag:s7] =	ssyncadd.s32 $0xFFFFFF80;
	(pc) =	sbr.rel @p1 .LBB2_5-.Ltmp1, $3  }
0x93: {  	[tilespmem:s21], [sflag:$0x1] =	stream.indirect.gather [spmem:s17], $0x1, s20, s10, $0xb8;
	[tilespmem:$0x1F2A0] =	vst v63  }
0x94: {  	s18 =	sadd.s32 $0x200, s18;
	_ =	sdelay $0x1  }
0x95: {  	_ =	swait.ge [sflag:s7], $0x80  }
0x96: {  	[sflag:s7] =	ssyncset.done $0x0  }
0x97: {  	s18 =	simm.s32 $0x0;
	[sflag:s7] =	ssyncadd.s32 $0xFFFFFF80  }
0x98: {  	s21 =	simm.s32 $0x40;
	s20 =	simm.s32 $0x0;
	v1 =	vld [tilespmem:s18+$0x2100]  }
.LBB2_7:
0x99: {  	p1 =	sne.s32 s21, $0x2BC0;
	v2 =	vld [tilespmem:s20+$0x1600];
	_ =	sdelay $0x2  }
.Ltmp2:
0x9a: {  	(pc) =	sbr.rel @p1 .LBB2_7-.Ltmp2, $4  }
0x9b: {  	_ = 	snop  }
0x9c: {  	v2 =	vmul.f32 v1, v2  }
0x9d: {  	s22 =	sshra.s32 s21, $0x2  }
0x9e: {  	s21 =	sadd.s32 $0x40, s21;
	v1 =	vld [tilespmem:s22+$0x2100];
	[tilespmem:s20+$0x1600] =	vst v2;
	s20 =	smov.u32 s22  }
0x9f: {  	v2 =	vld [tilespmem:s20+$0x1600];
	_ =	sdelay $0x4  }
0xa0: {  	v1 =	vmul.f32 v1, v2;
	_ =	sdelay $0x1  }
0xa1: {  	s22 =	simm.s32 $0x1600;
	[tilespmem:s20+$0x1600] =	vst v1  }
0xa2: {  	[spmem:s15] =	stream.indirect.scatter.add.f32 [tilespmem:s22], [sflag:$0x1], $0x1, s18, s10, $0xb8;
	[tilespmem:$0x1F2A0] =	vst v63  }
0xa3: {  	s18 =	simm.s32 $0x200;
	_ =	swait.ge [sflag:s7], $0x80  }
.LBB2_9:
0xa4: {  	s20 =	sshra.s32 s18, $0x2;
	[sflag:s7] =	ssyncset.done $0x0;
	p1 =	sne.s32 s18, $0x2A00  }
.Ltmp3:
0xa5: {  	s21 =	sadd.s32 $0x1600, s20;
	[sflag:s7] =	ssyncadd.s32 $0xFFFFFF80;
	(pc) =	sbr.rel @p1 .LBB2_9-.Ltmp3, $3  }
0xa6: {  	[spmem:s15] =	stream.indirect.scatter.add.f32 [tilespmem:s21], [sflag:$0x1], $0x1, s20, s10, $0xb8;
	[tilespmem:$0x1F2A0] =	vst v63  }
0xa7: {  	s18 =	sadd.s32 $0x200, s18;
	_ =	sdelay $0x1  }
0xa8: {  	_ =	swait.ge [sflag:s7], $0x80  }
0xa9: {  	s14 =	sadd.s32 $0x1, s14  }
0xaa: {  	p1 =	sne.s32 s14, $0x47  }
.Ltmp4:
0xab: {  	_ = 	snop;
	(pc) =	sbr.rel @p1 .LBB2_4-.Ltmp4, $3  }
0xac: {  	_ =	sdelay $0x1  }
0xad: {  	[sflag:s7] =	ssyncset.done $0x0  }
0xae: {  	[sflag:s7] =	ssyncadd.s32 $0xFFFFFF80  }
0xaf: {  	s12 =	simm.s32 @!p0 $0x0;
	s14 =	rddreg [dreg:$0x11]  }
0xb0: {  	[tilespmem:s12], [sflag:$0x1] =	stream.linear.gather @!p0 [hbm4b:s14+s12], $0x80, $0x38;
	[tilespmem:$0x1F2A0] =	vst v63  }
0xb1: {  	s14 =	simm.s32 @!p0 $0x1  }
0xb2: {  	_ =	swait.ge @!p0 [sflag:s14], $0x80  }
0xb3: {  	[sflag:s14] =	ssyncset.done @!p0 $0x0  }
0xb4: {  	s18 =	simm.s32 @!p0 $0xB00;
	s20 =	rddreg [dreg:$0x12];
	[sflag:s14] =	ssyncadd.s32 @!p0 $0xFFFFFF80  }
0xb5: {  	[tilespmem:s18], [sflag:$0x1] =	stream.linear.gather @!p0 [hbm4b:s20+s12], $0x80, $0x38;
	[tilespmem:$0x1F2A0] =	vst v63  }
0xb6: {  	_ =	swait.ge @!p0 [sflag:s14], $0x80  }
0xb7: {  	[sflag:s14] =	ssyncset.done @!p0 $0x0  }
0xb8: {  	s20 =	simm.s32 @!p0 $0x1600;
	s21 =	rddreg [dreg:$0x13];
	[sflag:s14] =	ssyncadd.s32 @!p0 $0xFFFFFF80  }
0xb9: {  	[tilespmem:s20], [sflag:$0x1] =	stream.linear.gather @!p0 [hbm4b:s21+s12], $0x80, $0x38;
	[tilespmem:$0x1F2A0] =	vst v63  }
0xba: {  	_ =	swait.ge @!p0 [sflag:s14], $0x80  }
0xbb: {  	[sflag:s14] =	ssyncset.done @!p0 $0x0  }
0xbc: {  	s22 =	simm.s32 @!p0 $0x2100;
	s21 =	simm.s32 @!p0 $0x80;
	[sflag:s14] =	ssyncadd.s32 @!p0 $0xFFFFFF80  }
0xbd: {  	[tilespmem:s22], [sflag:$0x1] =	stream.indirect.gather @!p0 [spmem:s17], $0x1, s18, s21, $0xb8;
	[tilespmem:$0x1F2A0] =	vst v63  }
0xbe: {  	_ =	swait.ge @!p0 [sflag:s14], $0x80  }
0xbf: {  	[sflag:s14] =	ssyncset.done @!p0 $0x0  }
0xc0: {  	[sflag:s14] =	ssyncadd.s32 @!p0 $0xFFFFFF80  }
0xc1: {  	v1 =	vld @!p0 [tilespmem:$0x1600]  }
0xc2: {  	v2 =	vld @!p0 [tilespmem:$0x2100]  }
0xc3: {  	v3 =	vld @!p0 [tilespmem:$0x1610]  }
0xc4: {  	v4 =	vld @!p0 [tilespmem:$0x2110]  }
0xc5: {  	v5 =	vld @!p0 [tilespmem:$0x1620]  }
0xc6: {  	v6 =	vld @!p0 [tilespmem:$0x2120]  }
0xc7: {  	v7 =	vld @!p0 [tilespmem:$0x1630]  }
0xc8: {  	v8 =	vld @!p0 [tilespmem:$0x2130]  }
0xc9: {  	v9 =	vld @!p0 [tilespmem:$0x1640]  }
0xca: {  	v10 =	vld @!p0 [tilespmem:$0x2140]  }
0xcb: {  	v11 =	vld @!p0 [tilespmem:$0x1650]  }
0xcc: {  	v12 =	vld @!p0 [tilespmem:$0x2150]  }
0xcd: {  	v13 =	vld @!p0 [tilespmem:$0x1660]  }
0xce: {  	v1 =	vmul.f32 @!p0 v2, v1;
	v2 =	vld @!p0 [tilespmem:$0x2160]  }
0xcf: {  	v3 =	vmul.f32 @!p0 v4, v3;
	v4 =	vld @!p0 [tilespmem:$0x1670]  }
0xd0: {  	[tilespmem:$0x1600] =	vst @!p0 v1;
	v1 =	vmul.f32 @!p0 v6, v5;
	v5 =	vld @!p0 [tilespmem:$0x2170]  }
0xd1: {  	[tilespmem:$0x1610] =	vst @!p0 v3;
	v3 =	vmul.f32 @!p0 v8, v7  }
0xd2: {  	[tilespmem:$0x1620] =	vst @!p0 v1;
	v1 =	vmul.f32 @!p0 v10, v9  }
0xd3: {  	[tilespmem:$0x1630] =	vst @!p0 v3;
	v3 =	vmul.f32 @!p0 v12, v11  }
0xd4: {  	[tilespmem:$0x1640] =	vst @!p0 v1;
	v1 =	vmul.f32 @!p0 v2, v13  }
0xd5: {  	[tilespmem:$0x1650] =	vst @!p0 v3;
	v2 =	vmul.f32 @!p0 v5, v4  }
0xd6: {  	[tilespmem:$0x1660] =	vst @!p0 v1  }
0xd7: {  	[tilespmem:$0x1670] =	vst @!p0 v2  }
0xd8: {  	[spmem:s15] =	stream.indirect.scatter.add.f32 @!p0 [tilespmem:s20], [sflag:$0x1], $0x1, s12, s21, $0xb8;
	[tilespmem:$0x1F2A0] =	vst v63  }
0xd9: {  	_ =	swait.ge @!p0 [sflag:s14], $0x80  }
0xda: {  	[sflag:s14] =	ssyncset.done @!p0 $0x0  }
0xdb: {  	[sflag:s14] =	ssyncadd.s32 @!p0 $0xFFFFFF80  }
0xdc: {  	[bflag:$0x0] =	sbarrier.arrive $0xFFFF  }
0xdd: {  	[tilespmem:s6], [sflag:$0x1] =	stream.linear.gather [spmem:s19], $0x1880, $0x38;
	[tilespmem:$0x1F2A0] =	vst v63  }
0xde: {  	s11 =	sadd.s32 $0x1, s11;
	_ =	swait.ge [sflag:s7], $0x1880  }
0xdf: {  	p1 =	sne.s32 s11, s24;
	[sflag:s7] =	ssyncset.done $0x0  }
.Ltmp5:
0xe0: {  	s22 =	simm.s32 $0x0;
	[sflag:s7] =	ssyncadd.s32 $0xFFFFE780;
	(pc) =	sbr.rel @p1 .LBB2_1-.Ltmp5, $4  }
0xe1: {  	[hbm4b:s23+s22] =	stream.linear.scatter [tilespmem:s6], [sflag:$0x1], $0x1880, $0x38;
	[tilespmem:$0x1F2A0] =	vst v63  }
0xe2: {  	_ =	swait.ge [sflag:s7], $0x1880  }
0xe3: {  	[sflag:s7] =	ssyncset.done $0x0  }
0xe4: {  	[sflag:s7] =	ssyncadd.s32 $0xFFFFE780  }
0xe5: {  	_ =	sfence.sel $0x180000  }
0xe6: {  	[bflag:$0x0] =	sbarrier.arrive $0xFFFF  }
0xe7: {  	_ =	strace $0x9000004D  }
0xe8: {  	s0 =	stileid.u32;
	[bflag:$0x2] =	sbarrier.arrive $0xFFFF  }
0xe9: {  	p0 =	sne.s32 s0, $0x0;
	s0 =	rddreg [dreg:$0x6]  }
0xea: {  	s0 =	sadd.s32 @!p0 $0x100000, s0  }
0xeb: {  	[sflag:s0] =	ssyncadd.tile.s32 @!p0 $0x1;
	_ =	shalt  }
.Lfunc_end2:
_tile_overlayer_lowered:
.L_overlay_start_2:
0xec: {  	(tag) =	ssettag $0x2  }
0xed: {  	s0 =	rddreg [dreg:$0x0];
	s2 =	stileid.u32  }
0xee: {  	s1 =	rddreg [dreg:$0x1];
	p0 =	sne.s32 s2, $0x0  }
0xef: {  	s3 =	rddreg [dreg:$0x2];
	[bflag:$0x3] =	sbarrier.arrive $0xFFFF;
	s2 =	simm.s32 @!p0 $0x1C01  }
0xf0: {  	[timem:s3], [sflag:s2] =	dma.local @!p0 [hbm:s0], s1  }
0xf1: {  	s0 =	simm.s32 @!p0 $0x1  }
0xf2: {  	_ =	swait.ge @!p0 [sflag:s0], s1  }
0xf3: {  	s1 =	ssub.s32 @!p0 $0x0, s1;
	[sflag:s0] =	ssyncset.done @!p0 $0x0  }
0xf4: {  	[sflag:s0] =	ssyncadd.s32 @!p0 s1  }
0xf5: {  	[bflag:$0x3] =	sbarrier.arrive $0xFFFF  }
0xf6: {  	_ =	shalt  }

// kernel: kernel.7.cloned.1.call-start
scs
__scs_entry_jumppad:
0x0: {  	(pc) =	sbr.rel $0x88, $3  }
0x1: {  	(tag) =	ssettag $0x0;
	lr =	simm.s32 $0x1  }
0x2: {  	[smem:$0x3F95] =	sst lr;
	_ =	strace $0xD0000000  }
0x3: {  	_ = 	snop  }
0x4: {  	_ = 	snop  }
0x5: {  	_ = 	snop  }
0x6: {  	_ = 	snop  }
0x7: {  	_ = 	snop  }
__scs_overlays_trampoline_lowered:
0x8: {  	[smem:$0x3FA4] =	sst s0  }
0x9: {  	[smem:$0x3FA5] =	sst s1  }
0xa: {  	[smem:$0x3FA6] =	sst s2  }
0xb: {  	[smem:$0x3FA7] =	sst s3  }
0xc: {  	[smem:$0x3FA8] =	sst s4  }
0xd: {  	[smem:$0x3FA9] =	sst s5  }
0xe: {  	[smem:$0x3FAA] =	sst s6  }
0xf: {  	[smem:$0x3FAB] =	sst s7  }
0x10: {  	[smem:$0x3FAC] =	sst s8  }
0x11: {  	[smem:$0x3FAD] =	sst s9;
	s0 =	simm.s32 @!p0 $0x0  }
0x12: {  	s1 =	sld [smem:$0x3F93];
	s0 =	simm.s32 @p0 $0x1  }
0x13: {  	[smem:$0x3FAE] =	sst s0;
	s0 =	simm.s32 @!p1 $0x0  }
0x14: {  	s2 =	sld [smem:$0x3F92];
	s0 =	simm.s32 @p1 $0x1  }
0x15: {  	[smem:$0x3FAF] =	sst s0;
	s0 =	simm.s32 @!p2 $0x0  }
0x16: {  	s3 =	sld [smem:$0x3FDB];
	s0 =	simm.s32 @p2 $0x1  }
0x17: {  	s4 =	simm.s32 $0x1BF5;
	[smem:$0x3FB1] =	sst s0  }
0x18: {  	s0 =	sld [smem:$0x3F94];
	_ =	swait.ge [sflag:s4], $0x0  }
0x19: {  	s7 =	sld [smem:$0x3F95]  }
0x1a: {  	s8 =	sadd.s32 $0xFFFFE003, lr  }
0x1b: {  	s9 =	sadd.s32 $0xFFFFFEF7, lr;
	s5 =	simm.s32 $0xFFFFFFFF;
	p2 =	slt.u32 s8, $0xFFFFF086  }
0x1c: {  	p1 =	slt.u32 s9, $0xF7A;
	s5 =	simm.s32 @!p2 $0x0  }
0x1d: {  	s5 =	simm.s32 @p1 $0x1;
	p0 =	seq.s32 s7, s2  }
0x1e: {  	s7 =	smul.u32 @!p0 $0xF7A, s2;
	p2 =	seq.s32 @!p0 s5, $0x0  }
0x1f: {  	s9 =	smul.u32 $0xF7A, s1;
	s8 =	simm.s32 @!p0 $0x1BF5;
	p2 =	por !p2, p0  }
0x20: {  	[sflag:s8] =	ssyncset.s32 @!p0 $0xFFFFF086;
	s6 =	sadd.s32 @!p0 s3, s7;
	s7 =	simm.s32 @!p0 $0x108  }
0x21: {  	s3 =	sadd.s32 s3, s9;
	s6 =	sadd.s32 @!p0 $0x88, s6;
	s7 =	simm.s32 @p2 $0x1082  }
0x22: {  	[simem:s7], [sflag:s8] =	dma.local @!p0 [hbm:s6], $0xF7A  }
0x23: {  	s9 =	sor.u32 $0xD0000000, s2;
	s6 =	simm.s32 $0x108;
	_ =	swait.ge @!p0 [sflag:s8], $0x0  }
0x24: {  	s3 =	sadd.s32 $0x88, s3;
	s6 =	simm.s32 @!p1 $0x1082;
	[sflag:s4] =	ssyncset.s32 $0xFFFFF086  }
0x25: {  	[simem:s6], [sflag:s4] =	dma.local [hbm:s3], $0xF7A  }
0x26: {  	[smem:$0x3F95] =	sst s1;
	(tag) =	ssettag s2;
	_ =	strace s9  }
0x27: {  	s1 =	sld [smem:$0x3FA5]  }
0x28: {  	s2 =	sld [smem:$0x3FA6]  }
0x29: {  	s4 =	sld [smem:$0x3FA8]  }
0x2a: {  	p0 =	seq.s32 s5, $0x0;
	s5 =	sld [smem:$0x3FA9]  }
0x2b: {  	s6 =	sld [smem:$0x3FAA]  }
0x2c: {  	s7 =	sld [smem:$0x3FAB]  }
0x2d: {  	s3 =	simm.s32 $0x108;
	s8 =	sld [smem:$0x3FAC]  }
0x2e: {  	s3 =	simm.s32 @!p0 $0x1082;
	s9 =	sld [smem:$0x3FAD]  }
0x2f: {  	lr =	sadd.s32 s0, s3;
	s0 =	sld [smem:$0x3FA4]  }
0x30: {  	s3 =	sld [smem:$0x3FA7]  }
0x31: {  	[smem:$0x3FB0] =	sst s10  }
0x32: {  	s10 =	sld [smem:$0x3FAE];
	_ =	sdelay $0x3  }
0x33: {  	p0 =	seq.s32 s10, $0x1;
	s10 =	sld [smem:$0x3FB0];
	_ =	sdelay $0x3  }
0x34: {  	[smem:$0x3FB0] =	sst s10  }
0x35: {  	s10 =	sld [smem:$0x3FAF];
	_ =	sdelay $0x3  }
0x36: {  	p1 =	seq.s32 s10, $0x1;
	s10 =	sld [smem:$0x3FB0];
	_ =	sdelay $0x3  }
0x37: {  	[smem:$0x3FB0] =	sst s10  }
0x38: {  	s10 =	sld [smem:$0x3FB1]  }
0x39: {  	_ = 	snop;
	(pc) =	sbr.ind lr, $3  }
0x3a: {  	_ = 	snop  }
0x3b: {  	_ = 	snop  }
0x3c: {  	p2 =	seq.s32 s10, $0x1;
	s10 =	sld [smem:$0x3FB0]  }
0x3d: {  	_ =	shalt  }
0x3e: {  	_ =	shalt  }
0x3f: {  	_ =	shalt  }
0x40: {  	_ =	shalt  }
0x41: {  	_ =	shalt  }
0x42: {  	_ =	shalt  }
0x43: {  	_ =	shalt  }
0x44: {  	_ =	shalt  }
0x45: {  	_ =	shalt  }
0x46: {  	_ =	shalt  }
0x47: {  	_ =	shalt  }
0x48: {  	_ =	shalt  }
0x49: {  	_ =	shalt  }
0x4a: {  	_ =	shalt  }
0x4b: {  	_ =	shalt  }
0x4c: {  	_ =	shalt  }
0x4d: {  	_ =	shalt  }
0x4e: {  	_ =	shalt  }
0x4f: {  	_ =	shalt  }
0x50: {  	_ =	shalt  }
0x51: {  	_ =	shalt  }
0x52: {  	_ =	shalt  }
0x53: {  	_ =	shalt  }
0x54: {  	_ =	shalt  }
0x55: {  	_ =	shalt  }
0x56: {  	_ =	shalt  }
0x57: {  	_ =	shalt  }
0x58: {  	_ =	shalt  }
0x59: {  	_ =	shalt  }
0x5a: {  	_ =	shalt  }
0x5b: {  	_ =	shalt  }
0x5c: {  	_ =	shalt  }
0x5d: {  	_ =	shalt  }
0x5e: {  	_ =	shalt  }
0x5f: {  	_ =	shalt  }
0x60: {  	_ =	shalt  }
0x61: {  	_ =	shalt  }
0x62: {  	_ =	shalt  }
0x63: {  	_ =	shalt  }
0x64: {  	_ =	shalt  }
0x65: {  	_ =	shalt  }
0x66: {  	_ =	shalt  }
0x67: {  	_ =	shalt  }
0x68: {  	_ =	shalt  }
0x69: {  	_ =	shalt  }
0x6a: {  	_ =	shalt  }
0x6b: {  	_ =	shalt  }
0x6c: {  	_ =	shalt  }
0x6d: {  	_ =	shalt  }
0x6e: {  	_ =	shalt  }
0x6f: {  	_ =	shalt  }
0x70: {  	_ =	shalt  }
0x71: {  	_ =	shalt  }
0x72: {  	_ =	shalt  }
0x73: {  	_ =	shalt  }
0x74: {  	_ =	shalt  }
0x75: {  	_ =	shalt  }
0x76: {  	_ =	shalt  }
0x77: {  	_ =	shalt  }
0x78: {  	_ =	shalt  }
0x79: {  	_ =	shalt  }
0x7a: {  	_ =	shalt  }
0x7b: {  	_ =	shalt  }
0x7c: {  	_ =	shalt  }
0x7d: {  	_ =	shalt  }
0x7e: {  	_ =	shalt  }
0x7f: {  	_ =	shalt  }
0x80: {  	_ =	shalt  }
0x81: {  	_ =	shalt  }
0x82: {  	_ =	shalt  }
0x83: {  	_ =	shalt  }
0x84: {  	_ =	shalt  }
0x85: {  	_ =	shalt  }
0x86: {  	_ =	shalt  }
0x87: {  	_ =	shalt  }
.Lfunc_end0:
.L_simem_size_0:
called_computation_lowered:
.L_overlay_start_0:
0x88: {  	s2 =	sld [smem:$0x3FD9]  }
0x89: {  	s3 =	sld [smem:$0x3FFE];
	_ =	sdelay $0x1  }
0x8a: {  	s1 =	srdreg.scid  }
0x8b: {  	s0 =	sand.u32 $0x1, s1  }
0x8c: {  	s17 =	sshll.u32 s0, $0xA;
	s2 =	sadd.s32 s3, s2  }
0x8d: {  	s2 =	sadd.s32 s2, s17  }
0x8e: {  	[smem:$0x3FBC] =	sst s2  }
0x8f: {  	_ = 	snop  }
0x90: {  	s2 =	sld [smem:$0x3FC7]  }
0x91: {  	s18 =	sld [smem:$0x3FC4];
	(tm) =	ssettm $0x1  }
0x92: {  	s4 =	sld [smem:$0x3FFB];
	_ =	sdelay $0x3  }
0x93: {  	_ =	strace s4  }
0x94: {  	s4 =	sld [smem:$0x3FFC];
	_ =	sdelay $0x3  }
0x95: {  	_ =	strace s4  }
0x96: {  	s4 =	sld [smem:$0x3FFD];
	_ =	sdelay $0x3  }
0x97: {  	_ =	strace s4  }
0x98: {  	_ =	strace $0x8FFFFFFF  }
0x99: {  	s19 =	sld [smem:$0x3FDB];
	_ =	sdelay $0x1  }
0x9a: {  	s5 =	simm.s32 $_scs_section_size  }
0x9b: {  	s6 =	simm.s32 $_size__tile_overlayer_lowered;
	s7 =	simm.s32 $_tile_overlayer_lowered  }
0x9c: {  	s22 =	simm.s32 $0x1BFF;
	s21 =	sshll.u32 s7, $0x1;
	s4 =	sadd.s32 s5, s19  }
0x9d: {  	s8 =	simm.s32 $0x0;
	s20 =	sshll.u32 s6, $0x1;
	s6 =	sadd.s32 s21, s4  }
0x9e: {  	[timem:s8], [sflag:s22] =	dma.local [hbm:s6], s20  }
0x9f: {  	_ =	swait.ge [sflag:s22], s20  }
0xa0: {  	s5 =	ssub.s32 $0x0, s20;
	[sflag:s22] =	ssyncset.done $0x0  }
0xa1: {  	[sflag:s22] =	ssyncadd.s32 s5;
	_ =	sdelay $0x1  }
0xa2: {  	s23 =	simm.s32 $0x1B8B  }
0xa3: {  	_ =	swait.ge [sflag:s23], $0x1  }
0xa4: {  	[sflag:s23] =	ssyncset.done $0x0  }
0xa5: {  	s25 =	simm.s32 $0x1B8E;
	s24 =	sld [smem:$0x3FFE];
	[sflag:s23] =	ssyncadd.s32 $0xFFFFFFFF  }
0xa6: {  	s26 =	simm.s32 $execute0_lowered;
	[smem:$0x3FD2] =	sst s25  }
0xa7: {  	s6 =	sshll.u32 s26, $0x1;
	_ =	strace $0x80000046;
	[dreg:$0x1] =	wrdreg $0xFFFFFFFF  }
0xa8: {  	s28 =	simm.s32 $_size_execute0_lowered;
	s4 =	sadd.s32 s4, s6;
	[dreg:$0x0] =	wrdreg $0x0  }
0xa9: {  	s6 =	sshll.u32 s28, $0x1;
	[dreg:$0x2] =	wrdreg s4  }
0xaa: {  	[dreg:$0x3] =	wrdreg s6  }
0xab: {  	[dreg:$0x4] =	wrdreg $0xC0  }
0xac: {  	_ =	task [dreg:s8], $0x5FFFF  }
0xad: {  	[dreg:$0x1] =	wrdreg $0xFFFFFFFF  }
0xae: {  	[dreg:$0x0] =	wrdreg $0x60  }
0xaf: {  	[dreg:$0x2] =	wrdreg s2  }
0xb0: {  	[dreg:$0x3] =	wrdreg s18  }
0xb1: {  	[dreg:$0x4] =	wrdreg s24  }
0xb2: {  	[dreg:$0x5] =	wrdreg $0x27800  }
0xb3: {  	[dreg:$0x6] =	wrdreg $0x9  }
0xb4: {  	_ =	task.clear_ibuf [dreg:s8], $0x7FFFF;
	_ =	strace $0x90000046  }
0xb5: {  	s29 =	simm.s32 $0x9;
	_ =	strace $0x80000048  }
0xb6: {  	_ =	swait.ge [sflag:s29], $0x1  }
0xb7: {  	[sflag:s29] =	ssyncadd.s32 $0xFFFFFFFF  }
0xb8: {  	_ =	strace $0x90000048  }
0xb9: {  	_ =	sfence  }
0xba: {  	s30 =	sld [smem:$0x0];
	_ =	sdelay $0x2  }
0xbb: {  	s31 =	sshll.u32 s1, $0xD;
	s1 =	sshrl.u32 s1, $0x2  }
0xbc: {  	s3 =	sand.u32 $0x4000, s31;
	s1 =	sadd.s32 s1, s30  }
0xbd: {  	s0 =	sor.u32 s3, s0;
	s1 =	sshll.u32 s1, $0x11  }
0xbe: {  	s0 =	sor.u32 s1, s0  }
0xbf: {  	s0 =	sadd.s32 $0x8F2B, s0  }
0xc0: {  	[sflag:s0] =	ssyncadd.remote.s32 $0x1  }
0xc1: {  	_ =	sfence.sel $0xFFFF  }
0xc2: {  	[dreg:$0x0] =	wrdreg $0xFFFFFFFF;
	(pc) =	sbr.abs _section_cstart, $3  }
0xc3: {  	[dreg:$0x1] =	wrdreg $0xFFFFFFFF  }
0xc4: {  	_ =	task.clear_ibuf [dreg:s8], $0x2FFFF;
	_ =	strace $0x9FFFFFFF  }
0xc5: {  	(tm) =	ssettm $0x7FFFFFFF  }
tec
execute0_lowered:
.L_overlay_start_1:
0x0: {  	(tag) =	ssettag $0x1  }
0x1: {  	s8 =	rddreg [dreg:$0x0]  }
0x2: {  	s9 =	rddreg [dreg:$0x1]  }
0x3: {  	s0 =	rddreg [dreg:$0x2];
	s1 =	srdreg.scid  }
0x4: {  	s7 =	stileid.u32;
	s4 =	rddreg [dreg:$0x3]  }
0x5: {  	s10 =	simm.s32 $0x0;
	s20 =	simm.s32 $0xF00;
	s13 =	simm.s32 $0x1  }
0x6: {  	s14 =	simm.s32 $0x780;
	s15 =	simm.s32 $0x80;
	s28 =	simm.s32 $0x380  }
0x7: {  	s29 =	simm.s32 $0xB00;
	s30 =	simm.s32 $0x400;
	s31 =	simm.s32 $0xB80  }
0x8: {  	s11 =	simm.s32 $0xD00;
	s12 =	simm.s32 $0x600;
	s16 =	simm.s32 $0xE80  }
0x9: {  	s18 =	simm.s32 $0x0;
	s1 =	sand.u32 $0x1, s1;
	s2 =	smul.u32 $0x1880, s7  }
0xa: {  	s3 =	sshll.u32 s7, $0x1;
	[smem:$0x7FF] =	sst s10;
	p0 =	sgt.u32 s7, $0x9  }
0xb: {  	s10 =	simm.s32 $0x580;
	s7 =	simm.s32 $0xD80;
	s5 =	smul.u32 $0x18800, s1  }
0xc: {  	s3 =	sor.u32 s1, s3;
	_ =	strace $0x80000047;
	s1 =	ssub.s32 $0x2, s1  }
0xd: {  	s6 =	smul.u32 $0x186, s3;
	s3 =	smin.u32 s3, $0x14;
	s23 =	sshrl.u32 s1, $0x1  }
0xe: {  	s19 =	sadd.s32 s2, s4;
	s5 =	sadd.s32 s2, s5;
	s1 =	ssub.s32 s1, s23  }
0xf: {  	s23 =	simm.s32 $0x280;
	s2 =	simm.s32 $0xE00;
	[dreg:$0x5] =	wrdreg s19  }
0x10: {  	s6 =	sadd.s32 s3, s6;
	s21 =	sshrl.u32 s5, $0x3;
	s26 =	smax.u32 s1, $0x1  }
0x11: {  	s3 =	simm.s32 $0x480;
	s1 =	simm.s32 $0x680;
	s22 =	sshll.u32 s6, $0x4  }
0x12: {  	s0 =	sadd.s32 s21, s0;
	[dreg:$0x9] =	wrdreg s26;
	s21 =	simm.s32 $0x200  }
0x13: {  	s26 =	simm.s32 $0xA80;
	s5 =	sadd.s32 $0x1860, s22;
	s0 =	sadd.s32 $0x1A00, s0  }
0x14: {  	s22 =	simm.s32 $0x980;
	s24 =	sadd.s32 s9, s5;
	s25 =	sadd.s32 s8, s5  }
0x15: {  	[dreg:$0x8] =	wrdreg s0;
	s0 =	simm.s32 $0xC00;
	s8 =	simm.s32 $0x500  }
0x16: {  	s9 =	simm.s32 $0xC80;
	s5 =	simm.s32 $0x700;
	[dreg:$0x6] =	wrdreg s24  }
0x17: {  	v0 =	vimm.f32 $0.0e+00;
	[dreg:$0x7] =	wrdreg s25;
	s24 =	simm.s32 $0xA00;
	s25 =	simm.s32 $0x300  }
.LBB2_1:
0x18: {  	[dreg:$0xa] =	wrdreg s18;
	s17 =	simm.s32 $0x40;
	s18 =	simm.s32 $0x0  }
.LBB2_2:
0x19: {  	p1 =	sne.s32 s17, $0x61C0;
	[tilespmem:s18+$0xF00] =	vst v0;
	s18 =	smov.u32 s17;
	s17 =	sadd.s32 $0x40, s17  }
.Ltmp0:
0x1a: {  	(pc) =	sbr.rel @p1 .LBB2_2-.Ltmp0, $2  }
0x1b: {  	_ =	sdelay $0x2  }
0x1c: {  	s18 =	sshra.s32 s18, $0x2  }
0x1d: {  	[tilespmem:s18+$0xF00] =	vst v0  }
0x1e: {  	[spmem:s19] =	stream.linear.scatter [tilespmem:s20], [sflag:$0x1], $0x1880, $0x38;
	[tilespmem:$0x4000] =	vst v63  }
0x1f: {  	_ =	swait.ge [sflag:s13], $0x1880  }
0x20: {  	[sflag:s13] =	ssyncset.done $0x0  }
0x21: {  	[sflag:s13] =	ssyncadd.s32 $0xFFFFE780  }
0x22: {  	s17 =	simm.s32 $0x0;
	s18 =	simm.s32 $0x0;
	[bflag:$0x0] =	sbarrier.arrive $0xFFFF  }
.LBB2_4:
0x23: {  	s19 =	smul.u32 $0xF, s18;
	_ =	sdelay $0x1  }
0x24: {  	s19 =	sadd.s32 s6, s19  }
0x25: {  	s19 =	sshll.u32 s19, $0x4  }
0x26: {  	s20 =	rddreg [dreg:$0x1];
	s19 =	sand.u32 $0x1FFFFFF0, s19  }
0x27: {  	s20 =	sadd.s32 s20, s19  }
0x28: {  	[tilespmem:s17], [sflag:$0x1] =	stream.linear.gather [hbm4b:s20+s17], $0x780, $0x38;
	[tilespmem:$0x4000] =	vst v63  }
0x29: {  	_ =	swait.ge [sflag:s13], $0x780  }
0x2a: {  	[sflag:s13] =	ssyncset.done $0x0  }
0x2b: {  	[sflag:s13] =	ssyncadd.s32 $0xFFFFF880  }
0x2c: {  	s20 =	rddreg [dreg:$0x0]  }
0x2d: {  	s19 =	sadd.s32 s20, s19  }
0x2e: {  	[tilespmem:s14], [sflag:$0x1] =	stream.linear.gather [hbm4b:s19+s17], $0x780, $0x38;
	[tilespmem:$0x4000] =	vst v63  }
0x2f: {  	_ =	swait.ge [sflag:s13], $0x780  }
0x30: {  	[sflag:s13] =	ssyncset.done $0x0  }
0x31: {  	s20 =	simm.s32 $0x40;
	s19 =	simm.s32 $0x0;
	[sflag:s13] =	ssyncadd.s32 $0xFFFFF880  }
.LBB2_5:
0x32: {  	p1 =	sne.s32 s20, $0x1DC0;
	v1 =	vld [tilespmem:s19+$0x780];
	_ =	sdelay $0x4  }
0x33: {  	v1 =	vmul.f32 $1.442695020e+00, v1;
	_ =	sdelay $0x1  }
0x34: {  	(erf) = vpow2.f32 v1;
	_ =	sdelay $0x5  }
.Ltmp1:
0x35: {  	(pc) =	sbr.rel @p1 .LBB2_5-.Ltmp1, $3  }
0x36: {  	_ =	sdelay $0x1  }
0x37: {  	v1 =	vpop (erf)  }
0x38: {  	[tilespmem:s19+$0x780] =	vst v1;
	s19 =	sshra.s32 s20, $0x2;
	s20 =	sadd.s32 $0x40, s20  }
0x39: {  	v1 =	vld [tilespmem:s19+$0x780];
	_ =	sdelay $0x4  }
0x3a: {  	v1 =	vmul.f32 $1.442695020e+00, v1;
	_ =	sdelay $0x1  }
0x3b: {  	(erf) = vpow2.f32 v1;
	_ =	sdelay $0x8  }
0x3c: {  	v1 =	vpop (erf)  }
0x3d: {  	s20 =	simm.s32 $0x0;
	[tilespmem:s19+$0x780] =	vst v1  }
0x3e: {  	[spmem:s4] =	stream.indirect.scatter.add.f32 [tilespmem:s14], [sflag:$0x1], $0x1, s20, s15, $0xb8;
	[tilespmem:$0x4000] =	vst v63  }
0x3f: {  	_ =	swait.ge [sflag:s13], $0x80  }
0x40: {  	[sflag:s13] =	ssyncset.done $0x0  }
0x41: {  	s20 =	simm.s32 $0x800;
	[sflag:s13] =	ssyncadd.s32 $0xFFFFFF80  }
0x42: {  	[spmem:s4] =	stream.indirect.scatter.add.f32 [tilespmem:s20], [sflag:$0x1], $0x1, s15, s15, $0xb8;
	[tilespmem:$0x4000] =	vst v63  }
0x43: {  	_ =	swait.ge [sflag:s13], $0x80  }
0x44: {  	[sflag:s13] =	ssyncset.done $0x0  }
0x45: {  	s19 =	simm.s32 $0x100;
	s20 =	simm.s32 $0x880;
	[sflag:s13] =	ssyncadd.s32 $0xFFFFFF80  }
0x46: {  	[spmem:s4] =	stream.indirect.scatter.add.f32 [tilespmem:s20], [sflag:$0x1], $0x1, s19, s15, $0xb8;
	[tilespmem:$0x4000] =	vst v63  }
0x47: {  	_ =	swait.ge [sflag:s13], $0x80  }
0x48: {  	[sflag:s13] =	ssyncset.done $0x0  }
0x49: {  	s19 =	simm.s32 $0x180;
	s20 =	simm.s32 $0x900;
	[sflag:s13] =	ssyncadd.s32 $0xFFFFFF80  }
0x4a: {  	[spmem:s4] =	stream.indirect.scatter.add.f32 [tilespmem:s20], [sflag:$0x1], $0x1, s19, s15, $0xb8;
	[tilespmem:$0x4000] =	vst v63  }
0x4b: {  	_ =	swait.ge [sflag:s13], $0x80  }
0x4c: {  	[sflag:s13] =	ssyncset.done $0x0  }
0x4d: {  	[sflag:s13] =	ssyncadd.s32 $0xFFFFFF80  }
0x4e: {  	[spmem:s4] =	stream.indirect.scatter.add.f32 [tilespmem:s22], [sflag:$0x1], $0x1, s21, s15, $0xb8;
	[tilespmem:$0x4000] =	vst v63  }
0x4f: {  	_ =	swait.ge [sflag:s13], $0x80  }
0x50: {  	[sflag:s13] =	ssyncset.done $0x0  }
0x51: {  	[sflag:s13] =	ssyncadd.s32 $0xFFFFFF80  }
0x52: {  	[spmem:s4] =	stream.indirect.scatter.add.f32 [tilespmem:s24], [sflag:$0x1], $0x1, s23, s15, $0xb8;
	[tilespmem:$0x4000] =	vst v63  }
0x53: {  	_ =	swait.ge [sflag:s13], $0x80  }
0x54: {  	[sflag:s13] =	ssyncset.done $0x0  }
0x55: {  	[sflag:s13] =	ssyncadd.s32 $0xFFFFFF80  }
0x56: {  	[spmem:s4] =	stream.indirect.scatter.add.f32 [tilespmem:s26], [sflag:$0x1], $0x1, s25, s15, $0xb8;
	[tilespmem:$0x4000] =	vst v63  }
0x57: {  	_ =	swait.ge [sflag:s13], $0x80  }
0x58: {  	[sflag:s13] =	ssyncset.done $0x0  }
0x59: {  	[sflag:s13] =	ssyncadd.s32 $0xFFFFFF80  }
0x5a: {  	[spmem:s4] =	stream.indirect.scatter.add.f32 [tilespmem:s29], [sflag:$0x1], $0x1, s28, s15, $0xb8;
	[tilespmem:$0x4000] =	vst v63  }
0x5b: {  	_ =	swait.ge [sflag:s13], $0x80  }
0x5c: {  	[sflag:s13] =	ssyncset.done $0x0  }
0x5d: {  	[sflag:s13] =	ssyncadd.s32 $0xFFFFFF80  }
0x5e: {  	[spmem:s4] =	stream.indirect.scatter.add.f32 [tilespmem:s31], [sflag:$0x1], $0x1, s30, s15, $0xb8;
	[tilespmem:$0x4000] =	vst v63  }
0x5f: {  	_ =	swait.ge [sflag:s13], $0x80  }
0x60: {  	[sflag:s13] =	ssyncset.done $0x0  }
0x61: {  	[sflag:s13] =	ssyncadd.s32 $0xFFFFFF80  }
0x62: {  	[spmem:s4] =	stream.indirect.scatter.add.f32 [tilespmem:s0], [sflag:$0x1], $0x1, s3, s15, $0xb8;
	[tilespmem:$0x4000] =	vst v63  }
0x63: {  	_ =	swait.ge [sflag:s13], $0x80  }
0x64: {  	[sflag:s13] =	ssyncset.done $0x0  }
0x65: {  	[sflag:s13] =	ssyncadd.s32 $0xFFFFFF80  }
0x66: {  	[spmem:s4] =	stream.indirect.scatter.add.f32 [tilespmem:s9], [sflag:$0x1], $0x1, s8, s15, $0xb8;
	[tilespmem:$0x4000] =	vst v63  }
0x67: {  	_ =	swait.ge [sflag:s13], $0x80  }
0x68: {  	[sflag:s13] =	ssyncset.done $0x0  }
0x69: {  	[sflag:s13] =	ssyncadd.s32 $0xFFFFFF80  }
0x6a: {  	[spmem:s4] =	stream.indirect.scatter.add.f32 [tilespmem:s11], [sflag:$0x1], $0x1, s10, s15, $0xb8;
	[tilespmem:$0x4000] =	vst v63  }
0x6b: {  	_ =	swait.ge [sflag:s13], $0x80  }
0x6c: {  	[sflag:s13] =	ssyncset.done $0x0  }
0x6d: {  	[sflag:s13] =	ssyncadd.s32 $0xFFFFFF80  }
0x6e: {  	[spmem:s4] =	stream.indirect.scatter.add.f32 [tilespmem:s7], [sflag:$0x1], $0x1, s12, s15, $0xb8;
	[tilespmem:$0x4000] =	vst v63  }
0x6f: {  	_ =	swait.ge [sflag:s13], $0x80  }
0x70: {  	[sflag:s13] =	ssyncset.done $0x0  }
0x71: {  	[sflag:s13] =	ssyncadd.s32 $0xFFFFFF80  }
0x72: {  	[spmem:s4] =	stream.indirect.scatter.add.f32 [tilespmem:s2], [sflag:$0x1], $0x1, s1, s15, $0xb8;
	[tilespmem:$0x4000] =	vst v63  }
0x73: {  	s18 =	sadd.s32 $0x1, s18;
	_ =	swait.ge [sflag:s13], $0x80  }
0x74: {  	p1 =	sne.s32 s18, $0x1A;
	[sflag:s13] =	ssyncset.done $0x0  }
.Ltmp2:
0x75: {  	[sflag:s13] =	ssyncadd.s32 $0xFFFFFF80;
	(pc) =	sbr.rel @p1 .LBB2_4-.Ltmp2, $4  }
0x76: {  	[spmem:s4] =	stream.indirect.scatter.add.f32 [tilespmem:s16], [sflag:$0x1], $0x1, s5, s15, $0xb8;
	[tilespmem:$0x4000] =	vst v63  }
0x77: {  	_ =	swait.ge [sflag:s13], $0x80  }
0x78: {  	[sflag:s13] =	ssyncset.done $0x0  }
0x79: {  	[sflag:s13] =	ssyncadd.s32 $0xFFFFFF80  }
0x7a: {  	s17 =	simm.s32 @!p0 $0x0;
	s18 =	rddreg [dreg:$0x6]  }
0x7b: {  	[tilespmem:s17], [sflag:$0x1] =	stream.linear.gather @!p0 [hbm4b:s18+s17], $0x80, $0x38;
	[tilespmem:$0x4000] =	vst v63  }
0x7c: {  	s18 =	simm.s32 @!p0 $0x1  }
0x7d: {  	_ =	swait.ge @!p0 [sflag:s18], $0x80  }
0x7e: {  	[sflag:s18] =	ssyncset.done @!p0 $0x0  }
0x7f: {  	s19 =	simm.s32 @!p0 $0x780;
	s20 =	rddreg [dreg:$0x7];
	[sflag:s18] =	ssyncadd.s32 @!p0 $0xFFFFFF80  }
0x80: {  	[tilespmem:s19], [sflag:$0x1] =	stream.linear.gather @!p0 [hbm4b:s20+s17], $0x80, $0x38;
	[tilespmem:$0x4000] =	vst v63  }
0x81: {  	_ =	swait.ge @!p0 [sflag:s18], $0x80  }
0x82: {  	[sflag:s18] =	ssyncset.done @!p0 $0x0  }
0x83: {  	[sflag:s18] =	ssyncadd.s32 @!p0 $0xFFFFFF80  }
0x84: {  	v1 =	vld @!p0 [tilespmem:$0x780]  }
0x85: {  	v2 =	vld @!p0 [tilespmem:$0x790]  }
0x86: {  	v3 =	vld @!p0 [tilespmem:$0x7A0]  }
0x87: {  	v4 =	vld @!p0 [tilespmem:$0x7B0]  }
0x88: {  	v5 =	vld @!p0 [tilespmem:$0x7C0]  }
0x89: {  	v6 =	vld @!p0 [tilespmem:$0x7D0];
	v1 =	vmul.f32 @!p0 $1.442695020e+00, v1  }
0x8a: {  	v7 =	vld @!p0 [tilespmem:$0x7E0];
	v2 =	vmul.f32 @!p0 $1.442695020e+00, v2  }
0x8b: {  	(erf) = vpow2.f32 @!p0 v1;
	v1 =	vmul.f32 @!p0 $1.442695020e+00, v3;
	v3 =	vld @!p0 [tilespmem:$0x7F0]  }
0x8c: {  	(erf) = vpow2.f32 @!p0 v2;
	v2 =	vmul.f32 @!p0 $1.442695020e+00, v4  }
0x8d: {  	(erf) = vpow2.f32 @!p0 v1;
	v1 =	vmul.f32 @!p0 $1.442695020e+00, v5  }
0x8e: {  	(erf) = vpow2.f32 @!p0 v2;
	v2 =	vmul.f32 @!p0 $1.442695020e+00, v6  }
0x8f: {  	(erf) = vpow2.f32 @!p0 v1;
	v1 =	vmul.f32 @!p0 $1.442695020e+00, v7  }
0x90: {  	(erf) = vpow2.f32 @!p0 v2;
	v2 =	vmul.f32 @!p0 $1.442695020e+00, v3  }
0x91: {  	(erf) = vpow2.f32 @!p0 v1  }
0x92: {  	(erf) = vpow2.f32 @!p0 v2;
	_ =	sdelay $0x1  }
0x93: {  	v1 =	vpop @!p0 (erf)  }
0x94: {  	v2 =	vpop @!p0 (erf);
	[tilespmem:$0x780] =	vst @!p0 v1  }
0x95: {  	v1 =	vpop @!p0 (erf);
	[tilespmem:$0x790] =	vst @!p0 v2  }
0x96: {  	v2 =	vpop @!p0 (erf);
	[tilespmem:$0x7A0] =	vst @!p0 v1  }
0x97: {  	v1 =	vpop @!p0 (erf);
	[tilespmem:$0x7B0] =	vst @!p0 v2  }
0x98: {  	v2 =	vpop @!p0 (erf);
	[tilespmem:$0x7C0] =	vst @!p0 v1  }
0x99: {  	v1 =	vpop @!p0 (erf);
	[tilespmem:$0x7D0] =	vst @!p0 v2  }
0x9a: {  	[tilespmem:$0x7E0] =	vst @!p0 v1;
	v1 =	vpop @!p0 (erf)  }
0x9b: {  	s20 =	simm.s32 @!p0 $0x80;
	[tilespmem:$0x7F0] =	vst @!p0 v1  }
0x9c: {  	[spmem:s4] =	stream.indirect.scatter.add.f32 @!p0 [tilespmem:s19], [sflag:$0x1], $0x1, s17, s20, $0xb8;
	[tilespmem:$0x4000] =	vst v63  }
0x9d: {  	_ =	swait.ge @!p0 [sflag:s18], $0x80  }
0x9e: {  	[sflag:s18] =	ssyncset.done @!p0 $0x0  }
0x9f: {  	[sflag:s18] =	ssyncadd.s32 @!p0 $0xFFFFFF80  }
0xa0: {  	[bflag:$0x0] =	sbarrier.arrive $0xFFFF  }
0xa1: {  	s20 =	simm.s32 $0xF00;
	s19 =	rddreg [dreg:$0x5]  }
0xa2: {  	[tilespmem:s20], [sflag:$0x1] =	stream.linear.gather [spmem:s19], $0x1880, $0x38;
	[tilespmem:$0x4000] =	vst v63  }
0xa3: {  	_ =	swait.ge [sflag:s13], $0x1880  }
0xa4: {  	[sflag:s13] =	ssyncset.done $0x0  }
0xa5: {  	s17 =	simm.s32 $0x0;
	s18 =	rddreg [dreg:$0x8];
	[sflag:s13] =	ssyncadd.s32 $0xFFFFE780  }
0xa6: {  	[hbm4b:s18+s17] =	stream.linear.scatter [tilespmem:s20], [sflag:$0x1], $0x1880, $0x38;
	[tilespmem:$0x4000] =	vst v63  }
0xa7: {  	_ =	swait.ge [sflag:s13], $0x1880  }
0xa8: {  	s17 =	rddreg [dreg:$0xa]  }
0xa9: {  	s18 =	sadd.s32 $0x1, s17;
	s17 =	rddreg [dreg:$0x9]  }
0xaa: {  	p1 =	sne.s32 s18, s17  }
.Ltmp3:
0xab: {  	_ = 	snop;
	(pc) =	sbr.rel @p1 .LBB2_1-.Ltmp3, $3  }
0xac: {  	_ =	sdelay $0x1  }
0xad: {  	[sflag:s13] =	ssyncset.done $0x0  }
0xae: {  	[sflag:s13] =	ssyncadd.s32 $0xFFFFE780  }
0xaf: {  	_ =	sfence.sel $0x180000  }
0xb0: {  	[bflag:$0x0] =	sbarrier.arrive $0xFFFF  }
0xb1: {  	_ =	strace $0x90000047  }
0xb2: {  	s0 =	stileid.u32;
	[bflag:$0x2] =	sbarrier.arrive $0xFFFF  }
0xb3: {  	p0 =	sne.s32 s0, $0x0;
	s0 =	rddreg [dreg:$0x4]  }
0xb4: {  	s0 =	sadd.s32 @!p0 $0x100000, s0  }
0xb5: {  	[sflag:s0] =	ssyncadd.tile.s32 @!p0 $0x1;
	_ =	shalt  }
.Lfunc_end2:
_tile_overlayer_lowered:
.L_overlay_start_2:
0xb6: {  	(tag) =	ssettag $0x2  }
0xb7: {  	s0 =	rddreg [dreg:$0x0];
	s2 =	stileid.u32  }
0xb8: {  	s1 =	rddreg [dreg:$0x1];
	p0 =	sne.s32 s2, $0x0  }
0xb9: {  	s3 =	rddreg [dreg:$0x2];
	[bflag:$0x3] =	sbarrier.arrive $0xFFFF;
	s2 =	simm.s32 @!p0 $0x1C01  }
0xba: {  	[timem:s3], [sflag:s2] =	dma.local @!p0 [hbm:s0], s1  }
0xbb: {  	s0 =	simm.s32 @!p0 $0x1  }
0xbc: {  	_ =	swait.ge @!p0 [sflag:s0], s1  }
0xbd: {  	s1 =	ssub.s32 @!p0 $0x0, s1;
	[sflag:s0] =	ssyncset.done @!p0 $0x0  }
0xbe: {  	[sflag:s0] =	ssyncadd.s32 @!p0 s1  }
0xbf: {  	[bflag:$0x3] =	sbarrier.arrive $0xFFFF  }
0xc0: {  	_ =	shalt  }

</sc_bundles>
